<compile_context>
chip_gen: v7x
topology: tpu7x:2x2x1
jax: 0.10.2.dev20260603
libtpu: 0.0.44.dev20260713+nightly
codegen_flags: <defaults>
</compile_context>

<pallas_src>
import functools

import jax
import jax.numpy as jnp
from jax import lax
from jax.experimental import pallas as pl
from jax.experimental.pallas import tpu as pltpu
from jax.experimental.pallas import tpu_sc as plsc

D_MODEL = 64
SCALE = float(D_MODEL) ** 0.5

_INFO = plsc.get_sparse_core_info()
_NC = _INFO.num_cores
_NS = _INFO.num_subcores
_NW = _NC * _NS
_LANES = _INFO.num_lanes

_IW = 128
_GRP = 2
_CHUNK = _GRP * _IW
_STAGE = 1024


@functools.partial(jax.jit, static_argnames=("n_rows",))
def _embed(x1, table, n_rows):
    rows_per_w = n_rows // _NW
    chunks = rows_per_w // _STAGE

    mesh = plsc.VectorSubcoreMesh(core_axis_name="c", subcore_axis_name="s")

    @functools.partial(
        pl.kernel,
        mesh=mesh,
        out_type=jax.ShapeDtypeStruct((n_rows // 2, 2 * D_MODEL), jnp.float32),
        scratch_types=[
            pltpu.VMEM((_STAGE,), jnp.int32),
            pltpu.VMEM((_CHUNK, D_MODEL), jnp.float32),
            pltpu.VMEM((_CHUNK, D_MODEL), jnp.float32),
            pltpu.VMEM((_CHUNK // 2, 2 * D_MODEL), jnp.float32),
            pltpu.VMEM((_CHUNK // 2, 2 * D_MODEL), jnp.float32),
            pltpu.SemaphoreType.DMA,
            pltpu.SemaphoreType.DMA,
            pltpu.SemaphoreType.DMA,
            pltpu.SemaphoreType.DMA,
        ],
        compiler_params=pltpu.CompilerParams(use_tc_tiling_on_sc=False),
    )
    def k(x_hbm, table_hbm, out_hbm, idx_v, rows_a, rows_b, pack_a, pack_b,
          gsem_a, gsem_b, wsem_a, wsem_b):
        wid = lax.axis_index("s") * _NC + lax.axis_index("c")
        base = wid * rows_per_w
        pair_base = wid * (rows_per_w // 2)
        rows_bufs = (rows_a, rows_b)
        pack_bufs = (pack_a, pack_b)
        gsems = (gsem_a, gsem_b)
        wsems = (wsem_a, wsem_b)
        subs = _STAGE // _CHUNK
        n_sub = chunks * subs

        def fire(i, par):
            t, s = i // subs, i % subs
            rv, gs = rows_bufs[par], gsems[par]
            descs = []
            for j in range(_GRP):
                descs.append(
                    pltpu.async_copy(
                        table_hbm.at[
                            idx_v.at[pl.ds((s * _GRP + j) * _IW, _IW)]
                        ],
                        rv.at[pl.ds(j * _IW, _IW)],
                        gs,
                    )
                )
            return descs

        def stage_idx(t):
            pltpu.sync_copy(x_hbm.at[pl.ds(base + t * _STAGE, _STAGE)], idx_v)

        stage_idx(0)
        d0 = fire(0, 0)

        def handle(i, par):
            nxt = 1 - par
            rv, pv = rows_bufs[par], pack_bufs[par]

            pltpu.make_async_copy(
                table_hbm.at[idx_v.at[pl.ds(0, _IW)]],
                rv.at[pl.ds(0, _IW)], gsems[par],
            ).wait()
            pltpu.make_async_copy(
                table_hbm.at[idx_v.at[pl.ds(0, _IW)]],
                rv.at[pl.ds(_IW, _IW)], gsems[par],
            ).wait()

            @pl.when(jnp.logical_and((i + 1) % subs == 0, i + 1 < n_sub))
            def _():
                stage_idx((i + 1) // subs)

            @pl.when(i + 1 < n_sub)
            def _():
                for j in range(_GRP):
                    pltpu.async_copy(
                        table_hbm.at[
                            idx_v.at[
                                pl.ds((((i + 1) % subs) * _GRP + j) * _IW,
                                      _IW)
                            ]
                        ],
                        rows_bufs[nxt].at[pl.ds(j * _IW, _IW)],
                        gsems[nxt],
                    )

            @pl.when(i >= 2)
            def _():
                pltpu.make_async_copy(
                    pv, out_hbm.at[pl.ds(pair_base, _CHUNK // 2)], wsems[par]
                ).wait()

            def pack_body(p, _):
                for rr in range(2):
                    for c in range(D_MODEL // _LANES):
                        src = pl.ds(c * _LANES, _LANES)
                        dst = pl.ds(rr * D_MODEL + c * _LANES, _LANES)
                        pv[p, dst] = rv[2 * p + rr, src] * SCALE
                return ()

            lax.fori_loop(0, _CHUNK // 2, pack_body, ())

            pltpu.async_copy(
                pv,
                out_hbm.at[pl.ds(pair_base + i * (_CHUNK // 2), _CHUNK // 2)],
                wsems[par],
            )

        def pair_body(h, _):
            handle(2 * h, 0)
            handle(2 * h + 1, 1)
            return ()

        lax.fori_loop(0, n_sub // 2, pair_body, ())
        del d0

        for par in range(2):
            pltpu.make_async_copy(
                pack_bufs[par],
                out_hbm.at[pl.ds(pair_base, _CHUNK // 2)],
                wsems[par],
            ).wait()

    return k(x1, table)


def kernel(x, table):
    b0, b1 = x.shape
    n_rows = b0 * b1
    x1 = x.reshape(n_rows).astype(jnp.int32)
    out = _embed(x1, table, n_rows)
    return out.reshape(n_rows, D_MODEL).reshape(b0, b1, D_MODEL)

# --- scband reference (transcript-rebuilt; emitter-appended) ---
"""Pipeline reference for scband-input-embedding-81922206204441 (READ-ONLY COPY).

The authoritative reference and input builder live on the scoring server;
editing this copy changes nothing except your own understanding.
"""

import jax, jax.numpy as jnp
import numpy as np

D_MODEL = 64
VOCAB = 1000000

def setup_inputs(seed: int = 0) -> dict:
    key = jax.random.key(seed)
    k1, k2 = jax.random.split(key)
    x = jax.random.randint(k1, (4096, 200), 0, VOCAB)
    table = jax.random.normal(k2, (VOCAB, D_MODEL), dtype=jnp.float32)
    return {"x": x, "table": table}

def reference(x, table):
    # InputEmbedding.forward: embedding(x) * sqrt(d_model)
    root_d_model = D_MODEL ** 0.5
    return jnp.take(table, x, axis=0) * root_d_model

if __name__ == "__main__":
    import jax
    _d = setup_inputs()
    print(jax.jit(kernel)(*tuple(_d.values())))

</pallas_src>

<mosaic_0001>
#map = affine_map<(d0, d1) -> (0)>
#map1 = affine_map<(d0, d1) -> (0, 0)>
module attributes {stable_mosaic.version = 14 : i64} {
  func.func @k(%arg0: i32, %arg1: i32, %arg2: memref<819200xi32, #tpu.memory_space<hbm>>, %arg3: memref<1000000x64xf32, #tpu.memory_space<hbm>>, %arg4: memref<409600x128xf32, #tpu.memory_space<hbm>>, %arg5: memref<1024xi32, #tpu.memory_space<vmem>>, %arg6: memref<256x64xf32, #tpu.memory_space<vmem>>, %arg7: memref<256x64xf32, #tpu.memory_space<vmem>>, %arg8: memref<128x128xf32, #tpu.memory_space<vmem>>, %arg9: memref<128x128xf32, #tpu.memory_space<vmem>>, %arg10: memref<!tpu.dma_semaphore, #tpu.memory_space<semaphore_mem>>, %arg11: memref<!tpu.dma_semaphore, #tpu.memory_space<semaphore_mem>>, %arg12: memref<!tpu.dma_semaphore, #tpu.memory_space<semaphore_mem>>, %arg13: memref<!tpu.dma_semaphore, #tpu.memory_space<semaphore_mem>>) attributes {dimension_semantics = [#tpu.dimension_semantics<core_parallel>, #tpu.dimension_semantics<subcore_parallel>], iteration_bounds = array<i64: 2, 16>, scalar_prefetch = 0 : i64, scratch_operands = 9 : i64, tpu.core_type = #tpu.core_type<sc_vector_subcore>, window_params = [{transform_indices = #map}, {transform_indices = #map1}, {transform_indices = #map1}]} {
    %mul3A = arith.constant 2 : i32
    %mul3A_0 = arith.muli %arg1, %mul3A : i32
    %add3A = arith.addi %mul3A_0, %arg0 : i32
    %mul3A_1 = arith.constant 25600 : i32
    %mul3A_2 = arith.muli %add3A, %mul3A_1 : i32
    %mul3A_3 = arith.constant 12800 : i32
    %mul3A_4 = arith.muli %add3A, %mul3A_3 : i32
    %add3A_5 = arith.constant 0 : i32
    %add3A_6 = arith.addi %mul3A_2, %add3A_5 : i32
    "tpu.region"() ({
      %run_scoped3A = tpu.sem_alloc : memref<!tpu.dma_semaphore, #tpu.memory_space<semaphore_mem>>
      %dma_start3A_33 = tpu.memref_slice %arg2[%add3A_6] : memref<819200xi32, #tpu.memory_space<hbm>> -> memref<1024xi32, #tpu.memory_space<hbm>>
      %dma_start3A_34 = tpu.memref_slice %arg2[%add3A_6] : memref<819200xi32, #tpu.memory_space<hbm>> -> memref<1024xi32, #tpu.memory_space<hbm>>
      tpu.enqueue_dma source(%dma_start3A_34 : memref<1024xi32, #tpu.memory_space<hbm>>) target(%arg5 : memref<1024xi32, #tpu.memory_space<vmem>>) target_semaphore(%run_scoped3A : memref<!tpu.dma_semaphore, #tpu.memory_space<semaphore_mem>>)
      %dma_wait3A_35 = tpu.memref_slice %arg2[%add3A_6] : memref<819200xi32, #tpu.memory_space<hbm>> -> memref<1024xi32, #tpu.memory_space<hbm>>
      %dma_wait3A_36 = tpu.memref_slice %arg2[%add3A_6] : memref<819200xi32, #tpu.memory_space<hbm>> -> memref<1024xi32, #tpu.memory_space<hbm>>
      tpu.wait_dma2 semaphore(%run_scoped3A : memref<!tpu.dma_semaphore, #tpu.memory_space<semaphore_mem>>) src(%dma_wait3A_36 : memref<1024xi32, #tpu.memory_space<hbm>>) dst(%arg5 : memref<1024xi32, #tpu.memory_space<vmem>>)
      tpu.yield
    }) : () -> ()
    %dma_start3A = arith.constant 0 : i32
    %dma_start3A_7 = arith.constant 0 : i32
    %dma_start3A_8 = tpu.memref_slice %arg6[%dma_start3A, %dma_start3A_7] : memref<256x64xf32, #tpu.memory_space<vmem>> -> memref<128x64xf32, #tpu.memory_space<vmem>>
    %dma_start3A_9 = arith.constant 0 : i32
    %dma_start3A_10 = tpu.memref_slice %arg5[%dma_start3A_9] : memref<1024xi32, #tpu.memory_space<vmem>> -> memref<128xi32, #tpu.memory_space<vmem>>
    %dma_start3A_11 = arith.constant 0 : i32
    %dma_start3A_12 = arith.constant 0 : i32
    %dma_start3A_13 = tpu.memref_slice %arg3[%dma_start3A_11, %dma_start3A_12] : memref<1000000x64xf32, #tpu.memory_space<hbm>> -> memref<1000000x64xf32, #tpu.memory_space<hbm>>
    tpu.enqueue_indirect_dma source(%dma_start3A_13 : memref<1000000x64xf32, #tpu.memory_space<hbm>>) target(%dma_start3A_8 : memref<128x64xf32, #tpu.memory_space<vmem>>) offsets(%dma_start3A_10 : memref<128xi32, #tpu.memory_space<vmem>>) semaphore(%arg10 : memref<!tpu.dma_semaphore, #tpu.memory_space<semaphore_mem>>)
    %dma_start3A_14 = arith.constant 128 : i32
    %dma_start3A_15 = arith.constant 0 : i32
    %dma_start3A_16 = tpu.memref_slice %arg6[%dma_start3A_14, %dma_start3A_15] : memref<256x64xf32, #tpu.memory_space<vmem>> -> memref<128x64xf32, #tpu.memory_space<vmem>>
    %dma_start3A_17 = arith.constant 128 : i32
    %dma_start3A_18 = tpu.memref_slice %arg5[%dma_start3A_17] : memref<1024xi32, #tpu.memory_space<vmem>> -> memref<128xi32, #tpu.memory_space<vmem>>
    %dma_start3A_19 = arith.constant 0 : i32
    %dma_start3A_20 = arith.constant 0 : i32
    %dma_start3A_21 = tpu.memref_slice %arg3[%dma_start3A_19, %dma_start3A_20] : memref<1000000x64xf32, #tpu.memory_space<hbm>> -> memref<1000000x64xf32, #tpu.memory_space<hbm>>
    tpu.enqueue_indirect_dma source(%dma_start3A_21 : memref<1000000x64xf32, #tpu.memory_space<hbm>>) target(%dma_start3A_16 : memref<128x64xf32, #tpu.memory_space<vmem>>) offsets(%dma_start3A_18 : memref<128xi32, #tpu.memory_space<vmem>>) semaphore(%arg10 : memref<!tpu.dma_semaphore, #tpu.memory_space<semaphore_mem>>)
    %scan3A = arith.constant 0 : i32
    %scan3A_22 = arith.constant 50 : i32
    %scan3A_23 = arith.addi %scan3A, %scan3A_22 : i32
    %scan3A_24 = arith.constant 1 : i32
    scf.for %scan3A_33 = %scan3A to %scan3A_23 step %scan3A_24  : i32 {
      %mul3A_34 = arith.constant 2 : i32
      %mul3A_35 = arith.muli %mul3A_34, %scan3A_33 : i32
      %dma_wait3A_36 = arith.constant 0 : i32
      %dma_wait3A_37 = arith.constant 0 : i32
      %dma_wait3A_38 = tpu.memref_slice %arg6[%dma_wait3A_36, %dma_wait3A_37] : memref<256x64xf32, #tpu.memory_space<vmem>> -> memref<128x64xf32, #tpu.memory_space<vmem>>
      %dma_wait3A_39 = arith.constant 0 : i32
      %dma_wait3A_40 = tpu.memref_slice %arg5[%dma_wait3A_39] : memref<1024xi32, #tpu.memory_space<vmem>> -> memref<128xi32, #tpu.memory_space<vmem>>
      %dma_wait3A_41 = arith.constant 0 : i32
      %dma_wait3A_42 = arith.constant 0 : i32
      %dma_wait3A_43 = tpu.memref_slice %arg3[%dma_wait3A_41, %dma_wait3A_42] : memref<1000000x64xf32, #tpu.memory_space<hbm>> -> memref<1000000x64xf32, #tpu.memory_space<hbm>>
      tpu.wait_indirect_dma semaphore(%arg10 : memref<!tpu.dma_semaphore, #tpu.memory_space<semaphore_mem>>) src(%dma_wait3A_43 : memref<1000000x64xf32, #tpu.memory_space<hbm>>) dst(%dma_wait3A_38 : memref<128x64xf32, #tpu.memory_space<vmem>>)
      %dma_wait3A_44 = arith.constant 128 : i32
      %dma_wait3A_45 = arith.constant 0 : i32
      %dma_wait3A_46 = tpu.memref_slice %arg6[%dma_wait3A_44, %dma_wait3A_45] : memref<256x64xf32, #tpu.memory_space<vmem>> -> memref<128x64xf32, #tpu.memory_space<vmem>>
      %dma_wait3A_47 = arith.constant 0 : i32
      %dma_wait3A_48 = tpu.memref_slice %arg5[%dma_wait3A_47] : memref<1024xi32, #tpu.memory_space<vmem>> -> memref<128xi32, #tpu.memory_space<vmem>>
      %dma_wait3A_49 = arith.constant 0 : i32
      %dma_wait3A_50 = arith.constant 0 : i32
      %dma_wait3A_51 = tpu.memref_slice %arg3[%dma_wait3A_49, %dma_wait3A_50] : memref<1000000x64xf32, #tpu.memory_space<hbm>> -> memref<1000000x64xf32, #tpu.memory_space<hbm>>
      tpu.wait_indirect_dma semaphore(%arg10 : memref<!tpu.dma_semaphore, #tpu.memory_space<semaphore_mem>>) src(%dma_wait3A_51 : memref<1000000x64xf32, #tpu.memory_space<hbm>>) dst(%dma_wait3A_46 : memref<128x64xf32, #tpu.memory_space<vmem>>)
      %add3A_52 = arith.constant 1 : i32
      %add3A_53 = arith.addi %mul3A_35, %add3A_52 : i32
      %jit3A = arith.constant 4 : i32
      %eq3A = arith.constant 0 : i32
      %eq3A_54 = arith.cmpi eq, %jit3A, %eq3A : i32
      %jit3A_55 = arith.constant 1 : i32
      %select_n3A = arith.select %eq3A_54, %jit3A_55, %jit3A : i32
      %rem3A = arith.remsi %add3A_53, %select_n3A : i32
      %ne3A = arith.constant 0 : i32
      %ne3A_56 = arith.cmpi ne, %rem3A, %ne3A : i32
      %lt3A = arith.constant 0 : i32
      %lt3A_57 = arith.cmpi slt, %rem3A, %lt3A : i32
      %lt3A_58 = arith.constant 0 : i32
      %lt3A_59 = arith.cmpi slt, %select_n3A, %lt3A_58 : i32
      %ne3A_60 = arith.xori %lt3A_57, %lt3A_59 : i1
      %and3A = arith.andi %ne3A_60, %ne3A_56 : i1
      %add3A_61 = arith.addi %rem3A, %select_n3A : i32
      %select_n3A_62 = arith.select %and3A, %add3A_61, %rem3A : i32
      %eq3A_63 = arith.constant 0 : i32
      %eq3A_64 = arith.cmpi eq, %select_n3A_62, %eq3A_63 : i32
      %add3A_65 = arith.constant 1 : i32
      %add3A_66 = arith.addi %mul3A_35, %add3A_65 : i32
      %lt3A_67 = arith.constant 100 : i32
      %lt3A_68 = arith.cmpi slt, %add3A_66, %lt3A_67 : i32
      %and3A_69 = arith.andi %eq3A_64, %lt3A_68 : i1
      %convert_element_type3A = arith.extui %and3A_69 : i1 to i32
      %cond3A = arith.constant 0 : i32
      %cond3A_70 = arith.cmpi ne, %convert_element_type3A, %cond3A : i32
      scf.if %cond3A_70 {
        %add3A_166 = arith.constant 1 : i32
        %add3A_167 = arith.addi %mul3A_35, %add3A_166 : i32
        %jit3A_168 = arith.constant 4 : i32
        %div3A = arith.divsi %add3A_167, %jit3A_168 : i32
        %sign3A = arith.constant 0 : i32
        %sign3A_169 = arith.cmpi sgt, %add3A_167, %sign3A : i32
        %sign3A_170 = arith.extui %sign3A_169 : i1 to i32
        %sign3A_171 = arith.constant 0 : i32
        %sign3A_172 = arith.cmpi slt, %add3A_167, %sign3A_171 : i32
        %sign3A_173 = arith.extui %sign3A_172 : i1 to i32
        %sign3A_174 = arith.subi %sign3A_170, %sign3A_173 : i32
        %sign3A_175 = arith.constant 0 : i32
        %sign3A_176 = arith.cmpi sgt, %jit3A_168, %sign3A_175 : i32
        %sign3A_177 = arith.extui %sign3A_176 : i1 to i32
        %sign3A_178 = arith.constant 0 : i32
        %sign3A_179 = arith.cmpi slt, %jit3A_168, %sign3A_178 : i32
        %sign3A_180 = arith.extui %sign3A_179 : i1 to i32
        %sign3A_181 = arith.subi %sign3A_177, %sign3A_180 : i32
        %ne3A_182 = arith.cmpi ne, %sign3A_174, %sign3A_181 : i32
        %rem3A_183 = arith.remsi %add3A_167, %jit3A_168 : i32
        %ne3A_184 = arith.constant 0 : i32
        %ne3A_185 = arith.cmpi ne, %rem3A_183, %ne3A_184 : i32
        %and3A_186 = arith.andi %ne3A_182, %ne3A_185 : i1
        %sub3A = arith.constant 1 : i32
        %sub3A_187 = arith.subi %div3A, %sub3A : i32
        %select_n3A_188 = arith.select %and3A_186, %sub3A_187, %div3A : i32
        %mul3A_189 = arith.constant 1024 : i32
        %mul3A_190 = arith.muli %select_n3A_188, %mul3A_189 : i32
        %add3A_191 = arith.addi %mul3A_2, %mul3A_190 : i32
        "tpu.region"() ({
          %run_scoped3A = tpu.sem_alloc : memref<!tpu.dma_semaphore, #tpu.memory_space<semaphore_mem>>
          %dma_start3A_192 = tpu.memref_slice %arg2[%add3A_191] : memref<819200xi32, #tpu.memory_space<hbm>> -> memref<1024xi32, #tpu.memory_space<hbm>>
          %dma_start3A_193 = tpu.memref_slice %arg2[%add3A_191] : memref<819200xi32, #tpu.memory_space<hbm>> -> memref<1024xi32, #tpu.memory_space<hbm>>
          tpu.enqueue_dma source(%dma_start3A_193 : memref<1024xi32, #tpu.memory_space<hbm>>) target(%arg5 : memref<1024xi32, #tpu.memory_space<vmem>>) target_semaphore(%run_scoped3A : memref<!tpu.dma_semaphore, #tpu.memory_space<semaphore_mem>>)
          %dma_wait3A_194 = tpu.memref_slice %arg2[%add3A_191] : memref<819200xi32, #tpu.memory_space<hbm>> -> memref<1024xi32, #tpu.memory_space<hbm>>
          %dma_wait3A_195 = tpu.memref_slice %arg2[%add3A_191] : memref<819200xi32, #tpu.memory_space<hbm>> -> memref<1024xi32, #tpu.memory_space<hbm>>
          tpu.wait_dma2 semaphore(%run_scoped3A : memref<!tpu.dma_semaphore, #tpu.memory_space<semaphore_mem>>) src(%dma_wait3A_195 : memref<1024xi32, #tpu.memory_space<hbm>>) dst(%arg5 : memref<1024xi32, #tpu.memory_space<vmem>>)
          tpu.yield
        }) : () -> ()
      } else {
      }
      %add3A_71 = arith.constant 1 : i32
      %add3A_72 = arith.addi %mul3A_35, %add3A_71 : i32
      %lt3A_73 = arith.constant 100 : i32
      %lt3A_74 = arith.cmpi slt, %add3A_72, %lt3A_73 : i32
      %convert_element_type3A_75 = arith.extui %lt3A_74 : i1 to i32
      %cond3A_76 = arith.constant 0 : i32
      %cond3A_77 = arith.cmpi ne, %convert_element_type3A_75, %cond3A_76 : i32
      scf.if %cond3A_77 {
        %add3A_166 = arith.constant 1 : i32
        %add3A_167 = arith.addi %mul3A_35, %add3A_166 : i32
        %jit3A_168 = arith.constant 4 : i32
        %eq3A_169 = arith.constant 0 : i32
        %eq3A_170 = arith.cmpi eq, %jit3A_168, %eq3A_169 : i32
        %jit3A_171 = arith.constant 1 : i32
        %select_n3A_172 = arith.select %eq3A_170, %jit3A_171, %jit3A_168 : i32
        %rem3A_173 = arith.remsi %add3A_167, %select_n3A_172 : i32
        %ne3A_174 = arith.constant 0 : i32
        %ne3A_175 = arith.cmpi ne, %rem3A_173, %ne3A_174 : i32
        %lt3A_176 = arith.constant 0 : i32
        %lt3A_177 = arith.cmpi slt, %rem3A_173, %lt3A_176 : i32
        %lt3A_178 = arith.constant 0 : i32
        %lt3A_179 = arith.cmpi slt, %select_n3A_172, %lt3A_178 : i32
        %ne3A_180 = arith.xori %lt3A_177, %lt3A_179 : i1
        %and3A_181 = arith.andi %ne3A_180, %ne3A_175 : i1
        %add3A_182 = arith.addi %rem3A_173, %select_n3A_172 : i32
        %select_n3A_183 = arith.select %and3A_181, %add3A_182, %rem3A_173 : i32
        %mul3A_184 = arith.constant 2 : i32
        %mul3A_185 = arith.muli %select_n3A_183, %mul3A_184 : i32
        %add3A_186 = arith.constant 0 : i32
        %add3A_187 = arith.addi %mul3A_185, %add3A_186 : i32
        %mul3A_188 = arith.constant 128 : i32
        %mul3A_189 = arith.muli %add3A_187, %mul3A_188 : i32
        %dma_start3A_190 = arith.constant 0 : i32
        %dma_start3A_191 = arith.constant 0 : i32
        %dma_start3A_192 = tpu.memref_slice %arg7[%dma_start3A_190, %dma_start3A_191] : memref<256x64xf32, #tpu.memory_space<vmem>> -> memref<128x64xf32, #tpu.memory_space<vmem>>
        %dma_start3A_193 = tpu.memref_slice %arg5[%mul3A_189] : memref<1024xi32, #tpu.memory_space<vmem>> -> memref<128xi32, #tpu.memory_space<vmem>>
        %dma_start3A_194 = arith.constant 0 : i32
        %dma_start3A_195 = arith.constant 0 : i32
        %dma_start3A_196 = tpu.memref_slice %arg3[%dma_start3A_194, %dma_start3A_195] : memref<1000000x64xf32, #tpu.memory_space<hbm>> -> memref<1000000x64xf32, #tpu.memory_space<hbm>>
        tpu.enqueue_indirect_dma source(%dma_start3A_196 : memref<1000000x64xf32, #tpu.memory_space<hbm>>) target(%dma_start3A_192 : memref<128x64xf32, #tpu.memory_space<vmem>>) offsets(%dma_start3A_193 : memref<128xi32, #tpu.memory_space<vmem>>) semaphore(%arg11 : memref<!tpu.dma_semaphore, #tpu.memory_space<semaphore_mem>>)
        %add3A_197 = arith.constant 1 : i32
        %add3A_198 = arith.addi %mul3A_35, %add3A_197 : i32
        %jit3A_199 = arith.constant 4 : i32
        %eq3A_200 = arith.constant 0 : i32
        %eq3A_201 = arith.cmpi eq, %jit3A_199, %eq3A_200 : i32
        %jit3A_202 = arith.constant 1 : i32
        %select_n3A_203 = arith.select %eq3A_201, %jit3A_202, %jit3A_199 : i32
        %rem3A_204 = arith.remsi %add3A_198, %select_n3A_203 : i32
        %ne3A_205 = arith.constant 0 : i32
        %ne3A_206 = arith.cmpi ne, %rem3A_204, %ne3A_205 : i32
        %lt3A_207 = arith.constant 0 : i32
        %lt3A_208 = arith.cmpi slt, %rem3A_204, %lt3A_207 : i32
        %lt3A_209 = arith.constant 0 : i32
        %lt3A_210 = arith.cmpi slt, %select_n3A_203, %lt3A_209 : i32
        %ne3A_211 = arith.xori %lt3A_208, %lt3A_210 : i1
        %and3A_212 = arith.andi %ne3A_211, %ne3A_206 : i1
        %add3A_213 = arith.addi %rem3A_204, %select_n3A_203 : i32
        %select_n3A_214 = arith.select %and3A_212, %add3A_213, %rem3A_204 : i32
        %mul3A_215 = arith.constant 2 : i32
        %mul3A_216 = arith.muli %select_n3A_214, %mul3A_215 : i32
        %add3A_217 = arith.constant 1 : i32
        %add3A_218 = arith.addi %mul3A_216, %add3A_217 : i32
        %mul3A_219 = arith.constant 128 : i32
        %mul3A_220 = arith.muli %add3A_218, %mul3A_219 : i32
        %dma_start3A_221 = arith.constant 128 : i32
        %dma_start3A_222 = arith.constant 0 : i32
        %dma_start3A_223 = tpu.memref_slice %arg7[%dma_start3A_221, %dma_start3A_222] : memref<256x64xf32, #tpu.memory_space<vmem>> -> memref<128x64xf32, #tpu.memory_space<vmem>>
        %dma_start3A_224 = tpu.memref_slice %arg5[%mul3A_220] : memref<1024xi32, #tpu.memory_space<vmem>> -> memref<128xi32, #tpu.memory_space<vmem>>
        %dma_start3A_225 = arith.constant 0 : i32
        %dma_start3A_226 = arith.constant 0 : i32
        %dma_start3A_227 = tpu.memref_slice %arg3[%dma_start3A_225, %dma_start3A_226] : memref<1000000x64xf32, #tpu.memory_space<hbm>> -> memref<1000000x64xf32, #tpu.memory_space<hbm>>
        tpu.enqueue_indirect_dma source(%dma_start3A_227 : memref<1000000x64xf32, #tpu.memory_space<hbm>>) target(%dma_start3A_223 : memref<128x64xf32, #tpu.memory_space<vmem>>) offsets(%dma_start3A_224 : memref<128xi32, #tpu.memory_space<vmem>>) semaphore(%arg11 : memref<!tpu.dma_semaphore, #tpu.memory_space<semaphore_mem>>)
      } else {
      }
      %ge3A = arith.constant 2 : i32
      %ge3A_78 = arith.cmpi sge, %mul3A_35, %ge3A : i32
      %convert_element_type3A_79 = arith.extui %ge3A_78 : i1 to i32
      %cond3A_80 = arith.constant 0 : i32
      %cond3A_81 = arith.cmpi ne, %convert_element_type3A_79, %cond3A_80 : i32
      scf.if %cond3A_81 {
        %dma_wait3A_166 = arith.constant 0 : i32
        %dma_wait3A_167 = tpu.memref_slice %arg4[%mul3A_4, %dma_wait3A_166] : memref<409600x128xf32, #tpu.memory_space<hbm>> -> memref<128x128xf32, #tpu.memory_space<hbm>>
        %dma_wait3A_168 = arith.constant 0 : i32
        %dma_wait3A_169 = tpu.memref_slice %arg4[%mul3A_4, %dma_wait3A_168] : memref<409600x128xf32, #tpu.memory_space<hbm>> -> memref<128x128xf32, #tpu.memory_space<hbm>>
        tpu.wait_dma2 semaphore(%arg12 : memref<!tpu.dma_semaphore, #tpu.memory_space<semaphore_mem>>) src(%arg8 : memref<128x128xf32, #tpu.memory_space<vmem>>) dst(%dma_wait3A_169 : memref<128x128xf32, #tpu.memory_space<hbm>>)
      } else {
      }
      %scan3A_82 = arith.constant 0 : i32
      %scan3A_83 = arith.constant 128 : i32
      %scan3A_84 = arith.addi %scan3A_82, %scan3A_83 : i32
      %scan3A_85 = arith.constant 1 : i32
      scf.for %scan3A_166 = %scan3A_82 to %scan3A_84 step %scan3A_85  : i32 {
        %mul3A_167 = arith.constant 2 : i32
        %mul3A_168 = arith.muli %mul3A_167, %scan3A_166 : i32
        %add3A_169 = arith.constant 0 : i32
        %add3A_170 = arith.addi %mul3A_168, %add3A_169 : i32
        %get3A = arith.index_cast %add3A_170 : i32 to index
        %get3A_171 = arith.constant 0 : index
        %get3A_172 = tpu.vector_load %arg6[%get3A, %get3A_171] {strides = array<i32>} : memref<256x64xf32, #tpu.memory_space<vmem>>, vector<1x16xf32>,
        %get3A_173 = vector.shape_cast %get3A_172 : vector<1x16xf32> to vector<16xf32>
        %mul3A_174 = arith.constant 8.000000e+00 : f32
        %mul3A_175 = vector.broadcast %mul3A_174 : f32 to vector<16xf32>
        %mul3A_176 = arith.mulf %get3A_173, %mul3A_175 : vector<16xf32>
        %swap3A = arith.index_cast %scan3A_166 : i32 to index
        %swap3A_177 = arith.constant 0 : index
        %swap3A_178 = tpu.vector_load %arg8[%swap3A, %swap3A_177] {strides = array<i32>} : memref<128x128xf32, #tpu.memory_space<vmem>>, vector<1x16xf32>,
        %swap3A_179 = vector.shape_cast %swap3A_178 : vector<1x16xf32> to vector<16xf32>
        %swap3A_180 = vector.shape_cast %mul3A_176 : vector<16xf32> to vector<1x16xf32>
        tpu.vector_store %arg8[%swap3A, %swap3A_177], %swap3A_180 {strides = array<i32>} : memref<128x128xf32, #tpu.memory_space<vmem>>, vector<1x16xf32>,
        %mul3A_181 = arith.constant 2 : i32
        %mul3A_182 = arith.muli %mul3A_181, %scan3A_166 : i32
        %add3A_183 = arith.constant 0 : i32
        %add3A_184 = arith.addi %mul3A_182, %add3A_183 : i32
        %get3A_185 = arith.index_cast %add3A_184 : i32 to index
        %get3A_186 = arith.constant 16 : index
        %get3A_187 = tpu.vector_load %arg6[%get3A_185, %get3A_186] {strides = array<i32>} : memref<256x64xf32, #tpu.memory_space<vmem>>, vector<1x16xf32>,
        %get3A_188 = vector.shape_cast %get3A_187 : vector<1x16xf32> to vector<16xf32>
        %mul3A_189 = arith.constant 8.000000e+00 : f32
        %mul3A_190 = vector.broadcast %mul3A_189 : f32 to vector<16xf32>
        %mul3A_191 = arith.mulf %get3A_188, %mul3A_190 : vector<16xf32>
        %swap3A_192 = arith.index_cast %scan3A_166 : i32 to index
        %swap3A_193 = arith.constant 16 : index
        %swap3A_194 = tpu.vector_load %arg8[%swap3A_192, %swap3A_193] {strides = array<i32>} : memref<128x128xf32, #tpu.memory_space<vmem>>, vector<1x16xf32>,
        %swap3A_195 = vector.shape_cast %swap3A_194 : vector<1x16xf32> to vector<16xf32>
        %swap3A_196 = vector.shape_cast %mul3A_191 : vector<16xf32> to vector<1x16xf32>
        tpu.vector_store %arg8[%swap3A_192, %swap3A_193], %swap3A_196 {strides = array<i32>} : memref<128x128xf32, #tpu.memory_space<vmem>>, vector<1x16xf32>,
        %mul3A_197 = arith.constant 2 : i32
        %mul3A_198 = arith.muli %mul3A_197, %scan3A_166 : i32
        %add3A_199 = arith.constant 0 : i32
        %add3A_200 = arith.addi %mul3A_198, %add3A_199 : i32
        %get3A_201 = arith.index_cast %add3A_200 : i32 to index
        %get3A_202 = arith.constant 32 : index
        %get3A_203 = tpu.vector_load %arg6[%get3A_201, %get3A_202] {strides = array<i32>} : memref<256x64xf32, #tpu.memory_space<vmem>>, vector<1x16xf32>,
        %get3A_204 = vector.shape_cast %get3A_203 : vector<1x16xf32> to vector<16xf32>
        %mul3A_205 = arith.constant 8.000000e+00 : f32
        %mul3A_206 = vector.broadcast %mul3A_205 : f32 to vector<16xf32>
        %mul3A_207 = arith.mulf %get3A_204, %mul3A_206 : vector<16xf32>
        %swap3A_208 = arith.index_cast %scan3A_166 : i32 to index
        %swap3A_209 = arith.constant 32 : index
        %swap3A_210 = tpu.vector_load %arg8[%swap3A_208, %swap3A_209] {strides = array<i32>} : memref<128x128xf32, #tpu.memory_space<vmem>>, vector<1x16xf32>,
        %swap3A_211 = vector.shape_cast %swap3A_210 : vector<1x16xf32> to vector<16xf32>
        %swap3A_212 = vector.shape_cast %mul3A_207 : vector<16xf32> to vector<1x16xf32>
        tpu.vector_store %arg8[%swap3A_208, %swap3A_209], %swap3A_212 {strides = array<i32>} : memref<128x128xf32, #tpu.memory_space<vmem>>, vector<1x16xf32>,
        %mul3A_213 = arith.constant 2 : i32
        %mul3A_214 = arith.muli %mul3A_213, %scan3A_166 : i32
        %add3A_215 = arith.constant 0 : i32
        %add3A_216 = arith.addi %mul3A_214, %add3A_215 : i32
        %get3A_217 = arith.index_cast %add3A_216 : i32 to index
        %get3A_218 = arith.constant 48 : index
        %get3A_219 = tpu.vector_load %arg6[%get3A_217, %get3A_218] {strides = array<i32>} : memref<256x64xf32, #tpu.memory_space<vmem>>, vector<1x16xf32>,
        %get3A_220 = vector.shape_cast %get3A_219 : vector<1x16xf32> to vector<16xf32>
        %mul3A_221 = arith.constant 8.000000e+00 : f32
        %mul3A_222 = vector.broadcast %mul3A_221 : f32 to vector<16xf32>
        %mul3A_223 = arith.mulf %get3A_220, %mul3A_222 : vector<16xf32>
        %swap3A_224 = arith.index_cast %scan3A_166 : i32 to index
        %swap3A_225 = arith.constant 48 : index
        %swap3A_226 = tpu.vector_load %arg8[%swap3A_224, %swap3A_225] {strides = array<i32>} : memref<128x128xf32, #tpu.memory_space<vmem>>, vector<1x16xf32>,
        %swap3A_227 = vector.shape_cast %swap3A_226 : vector<1x16xf32> to vector<16xf32>
        %swap3A_228 = vector.shape_cast %mul3A_223 : vector<16xf32> to vector<1x16xf32>
        tpu.vector_store %arg8[%swap3A_224, %swap3A_225], %swap3A_228 {strides = array<i32>} : memref<128x128xf32, #tpu.memory_space<vmem>>, vector<1x16xf32>,
        %mul3A_229 = arith.constant 2 : i32
        %mul3A_230 = arith.muli %mul3A_229, %scan3A_166 : i32
        %add3A_231 = arith.constant 1 : i32
        %add3A_232 = arith.addi %mul3A_230, %add3A_231 : i32
        %get3A_233 = arith.index_cast %add3A_232 : i32 to index
        %get3A_234 = arith.constant 0 : index
        %get3A_235 = tpu.vector_load %arg6[%get3A_233, %get3A_234] {strides = array<i32>} : memref<256x64xf32, #tpu.memory_space<vmem>>, vector<1x16xf32>,
        %get3A_236 = vector.shape_cast %get3A_235 : vector<1x16xf32> to vector<16xf32>
        %mul3A_237 = arith.constant 8.000000e+00 : f32
        %mul3A_238 = vector.broadcast %mul3A_237 : f32 to vector<16xf32>
        %mul3A_239 = arith.mulf %get3A_236, %mul3A_238 : vector<16xf32>
        %swap3A_240 = arith.index_cast %scan3A_166 : i32 to index
        %swap3A_241 = arith.constant 64 : index
        %swap3A_242 = tpu.vector_load %arg8[%swap3A_240, %swap3A_241] {strides = array<i32>} : memref<128x128xf32, #tpu.memory_space<vmem>>, vector<1x16xf32>,
        %swap3A_243 = vector.shape_cast %swap3A_242 : vector<1x16xf32> to vector<16xf32>
        %swap3A_244 = vector.shape_cast %mul3A_239 : vector<16xf32> to vector<1x16xf32>
        tpu.vector_store %arg8[%swap3A_240, %swap3A_241], %swap3A_244 {strides = array<i32>} : memref<128x128xf32, #tpu.memory_space<vmem>>, vector<1x16xf32>,
        %mul3A_245 = arith.constant 2 : i32
        %mul3A_246 = arith.muli %mul3A_245, %scan3A_166 : i32
        %add3A_247 = arith.constant 1 : i32
        %add3A_248 = arith.addi %mul3A_246, %add3A_247 : i32
        %get3A_249 = arith.index_cast %add3A_248 : i32 to index
        %get3A_250 = arith.constant 16 : index
        %get3A_251 = tpu.vector_load %arg6[%get3A_249, %get3A_250] {strides = array<i32>} : memref<256x64xf32, #tpu.memory_space<vmem>>, vector<1x16xf32>,
        %get3A_252 = vector.shape_cast %get3A_251 : vector<1x16xf32> to vector<16xf32>
        %mul3A_253 = arith.constant 8.000000e+00 : f32
        %mul3A_254 = vector.broadcast %mul3A_253 : f32 to vector<16xf32>
        %mul3A_255 = arith.mulf %get3A_252, %mul3A_254 : vector<16xf32>
        %swap3A_256 = arith.index_cast %scan3A_166 : i32 to index
        %swap3A_257 = arith.constant 80 : index
        %swap3A_258 = tpu.vector_load %arg8[%swap3A_256, %swap3A_257] {strides = array<i32>} : memref<128x128xf32, #tpu.memory_space<vmem>>, vector<1x16xf32>,
        %swap3A_259 = vector.shape_cast %swap3A_258 : vector<1x16xf32> to vector<16xf32>
        %swap3A_260 = vector.shape_cast %mul3A_255 : vector<16xf32> to vector<1x16xf32>
        tpu.vector_store %arg8[%swap3A_256, %swap3A_257], %swap3A_260 {strides = array<i32>} : memref<128x128xf32, #tpu.memory_space<vmem>>, vector<1x16xf32>,
        %mul3A_261 = arith.constant 2 : i32
        %mul3A_262 = arith.muli %mul3A_261, %scan3A_166 : i32
        %add3A_263 = arith.constant 1 : i32
        %add3A_264 = arith.addi %mul3A_262, %add3A_263 : i32
        %get3A_265 = arith.index_cast %add3A_264 : i32 to index
        %get3A_266 = arith.constant 32 : index
        %get3A_267 = tpu.vector_load %arg6[%get3A_265, %get3A_266] {strides = array<i32>} : memref<256x64xf32, #tpu.memory_space<vmem>>, vector<1x16xf32>,
        %get3A_268 = vector.shape_cast %get3A_267 : vector<1x16xf32> to vector<16xf32>
        %mul3A_269 = arith.constant 8.000000e+00 : f32
        %mul3A_270 = vector.broadcast %mul3A_269 : f32 to vector<16xf32>
        %mul3A_271 = arith.mulf %get3A_268, %mul3A_270 : vector<16xf32>
        %swap3A_272 = arith.index_cast %scan3A_166 : i32 to index
        %swap3A_273 = arith.constant 96 : index
        %swap3A_274 = tpu.vector_load %arg8[%swap3A_272, %swap3A_273] {strides = array<i32>} : memref<128x128xf32, #tpu.memory_space<vmem>>, vector<1x16xf32>,
        %swap3A_275 = vector.shape_cast %swap3A_274 : vector<1x16xf32> to vector<16xf32>
        %swap3A_276 = vector.shape_cast %mul3A_271 : vector<16xf32> to vector<1x16xf32>
        tpu.vector_store %arg8[%swap3A_272, %swap3A_273], %swap3A_276 {strides = array<i32>} : memref<128x128xf32, #tpu.memory_space<vmem>>, vector<1x16xf32>,
        %mul3A_277 = arith.constant 2 : i32
        %mul3A_278 = arith.muli %mul3A_277, %scan3A_166 : i32
        %add3A_279 = arith.constant 1 : i32
        %add3A_280 = arith.addi %mul3A_278, %add3A_279 : i32
        %get3A_281 = arith.index_cast %add3A_280 : i32 to index
        %get3A_282 = arith.constant 48 : index
        %get3A_283 = tpu.vector_load %arg6[%get3A_281, %get3A_282] {strides = array<i32>} : memref<256x64xf32, #tpu.memory_space<vmem>>, vector<1x16xf32>,
        %get3A_284 = vector.shape_cast %get3A_283 : vector<1x16xf32> to vector<16xf32>
        %mul3A_285 = arith.constant 8.000000e+00 : f32
        %mul3A_286 = vector.broadcast %mul3A_285 : f32 to vector<16xf32>
        %mul3A_287 = arith.mulf %get3A_284, %mul3A_286 : vector<16xf32>
        %swap3A_288 = arith.index_cast %scan3A_166 : i32 to index
        %swap3A_289 = arith.constant 112 : index
        %swap3A_290 = tpu.vector_load %arg8[%swap3A_288, %swap3A_289] {strides = array<i32>} : memref<128x128xf32, #tpu.memory_space<vmem>>, vector<1x16xf32>,
        %swap3A_291 = vector.shape_cast %swap3A_290 : vector<1x16xf32> to vector<16xf32>
        %swap3A_292 = vector.shape_cast %mul3A_287 : vector<16xf32> to vector<1x16xf32>
        tpu.vector_store %arg8[%swap3A_288, %swap3A_289], %swap3A_292 {strides = array<i32>} : memref<128x128xf32, #tpu.memory_space<vmem>>, vector<1x16xf32>,
      }
      %scan3A_86 = arith.constant 128 : i32
      %mul3A_87 = arith.constant 128 : i32
      %mul3A_88 = arith.muli %mul3A_35, %mul3A_87 : i32
      %add3A_89 = arith.addi %mul3A_4, %mul3A_88 : i32
      %dma_start3A_90 = arith.constant 0 : i32
      %dma_start3A_91 = tpu.memref_slice %arg4[%add3A_89, %dma_start3A_90] : memref<409600x128xf32, #tpu.memory_space<hbm>> -> memref<128x128xf32, #tpu.memory_space<hbm>>
      %dma_start3A_92 = arith.constant 0 : i32
      %dma_start3A_93 = tpu.memref_slice %arg4[%add3A_89, %dma_start3A_92] : memref<409600x128xf32, #tpu.memory_space<hbm>> -> memref<128x128xf32, #tpu.memory_space<hbm>>
      tpu.enqueue_dma source(%arg8 : memref<128x128xf32, #tpu.memory_space<vmem>>) target(%dma_start3A_93 : memref<128x128xf32, #tpu.memory_space<hbm>>) target_semaphore(%arg12 : memref<!tpu.dma_semaphore, #tpu.memory_space<semaphore_mem>>)
      %mul3A_94 = arith.constant 2 : i32
      %mul3A_95 = arith.muli %mul3A_94, %scan3A_33 : i32
      %add3A_96 = arith.constant 1 : i32
      %add3A_97 = arith.addi %mul3A_95, %add3A_96 : i32
      %dma_wait3A_98 = arith.constant 0 : i32
      %dma_wait3A_99 = arith.constant 0 : i32
      %dma_wait3A_100 = tpu.memref_slice %arg7[%dma_wait3A_98, %dma_wait3A_99] : memref<256x64xf32, #tpu.memory_space<vmem>> -> memref<128x64xf32, #tpu.memory_space<vmem>>
      %dma_wait3A_101 = arith.constant 0 : i32
      %dma_wait3A_102 = tpu.memref_slice %arg5[%dma_wait3A_101] : memref<1024xi32, #tpu.memory_space<vmem>> -> memref<128xi32, #tpu.memory_space<vmem>>
      %dma_wait3A_103 = arith.constant 0 : i32
      %dma_wait3A_104 = arith.constant 0 : i32
      %dma_wait3A_105 = tpu.memref_slice %arg3[%dma_wait3A_103, %dma_wait3A_104] : memref<1000000x64xf32, #tpu.memory_space<hbm>> -> memref<1000000x64xf32, #tpu.memory_space<hbm>>
      tpu.wait_indirect_dma semaphore(%arg11 : memref<!tpu.dma_semaphore, #tpu.memory_space<semaphore_mem>>) src(%dma_wait3A_105 : memref<1000000x64xf32, #tpu.memory_space<hbm>>) dst(%dma_wait3A_100 : memref<128x64xf32, #tpu.memory_space<vmem>>)
      %dma_wait3A_106 = arith.constant 128 : i32
      %dma_wait3A_107 = arith.constant 0 : i32
      %dma_wait3A_108 = tpu.memref_slice %arg7[%dma_wait3A_106, %dma_wait3A_107] : memref<256x64xf32, #tpu.memory_space<vmem>> -> memref<128x64xf32, #tpu.memory_space<vmem>>
      %dma_wait3A_109 = arith.constant 0 : i32
      %dma_wait3A_110 = tpu.memref_slice %arg5[%dma_wait3A_109] : memref<1024xi32, #tpu.memory_space<vmem>> -> memref<128xi32, #tpu.memory_space<vmem>>
      %dma_wait3A_111 = arith.constant 0 : i32
      %dma_wait3A_112 = arith.constant 0 : i32
      %dma_wait3A_113 = tpu.memref_slice %arg3[%dma_wait3A_111, %dma_wait3A_112] : memref<1000000x64xf32, #tpu.memory_space<hbm>> -> memref<1000000x64xf32, #tpu.memory_space<hbm>>
      tpu.wait_indirect_dma semaphore(%arg11 : memref<!tpu.dma_semaphore, #tpu.memory_space<semaphore_mem>>) src(%dma_wait3A_113 : memref<1000000x64xf32, #tpu.memory_space<hbm>>) dst(%dma_wait3A_108 : memref<128x64xf32, #tpu.memory_space<vmem>>)
      %add3A_114 = arith.constant 1 : i32
      %add3A_115 = arith.addi %add3A_97, %add3A_114 : i32
      %jit3A_116 = arith.constant 4 : i32
      %eq3A_117 = arith.constant 0 : i32
      %eq3A_118 = arith.cmpi eq, %jit3A_116, %eq3A_117 : i32
      %jit3A_119 = arith.constant 1 : i32
      %select_n3A_120 = arith.select %eq3A_118, %jit3A_119, %jit3A_116 : i32
      %rem3A_121 = arith.remsi %add3A_115, %select_n3A_120 : i32
      %ne3A_122 = arith.constant 0 : i32
      %ne3A_123 = arith.cmpi ne, %rem3A_121, %ne3A_122 : i32
      %lt3A_124 = arith.constant 0 : i32
      %lt3A_125 = arith.cmpi slt, %rem3A_121, %lt3A_124 : i32
      %lt3A_126 = arith.constant 0 : i32
      %lt3A_127 = arith.cmpi slt, %select_n3A_120, %lt3A_126 : i32
      %ne3A_128 = arith.xori %lt3A_125, %lt3A_127 : i1
      %and3A_129 = arith.andi %ne3A_128, %ne3A_123 : i1
      %add3A_130 = arith.addi %rem3A_121, %select_n3A_120 : i32
      %select_n3A_131 = arith.select %and3A_129, %add3A_130, %rem3A_121 : i32
      %eq3A_132 = arith.constant 0 : i32
      %eq3A_133 = arith.cmpi eq, %select_n3A_131, %eq3A_132 : i32
      %add3A_134 = arith.constant 1 : i32
      %add3A_135 = arith.addi %add3A_97, %add3A_134 : i32
      %lt3A_136 = arith.constant 100 : i32
      %lt3A_137 = arith.cmpi slt, %add3A_135, %lt3A_136 : i32
      %and3A_138 = arith.andi %eq3A_133, %lt3A_137 : i1
      %convert_element_type3A_139 = arith.extui %and3A_138 : i1 to i32
      %cond3A_140 = arith.constant 0 : i32
      %cond3A_141 = arith.cmpi ne, %convert_element_type3A_139, %cond3A_140 : i32
      scf.if %cond3A_141 {
        %add3A_166 = arith.constant 1 : i32
        %add3A_167 = arith.addi %add3A_97, %add3A_166 : i32
        %jit3A_168 = arith.constant 4 : i32
        %div3A = arith.divsi %add3A_167, %jit3A_168 : i32
        %sign3A = arith.constant 0 : i32
        %sign3A_169 = arith.cmpi sgt, %add3A_167, %sign3A : i32
        %sign3A_170 = arith.extui %sign3A_169 : i1 to i32
        %sign3A_171 = arith.constant 0 : i32
        %sign3A_172 = arith.cmpi slt, %add3A_167, %sign3A_171 : i32
        %sign3A_173 = arith.extui %sign3A_172 : i1 to i32
        %sign3A_174 = arith.subi %sign3A_170, %sign3A_173 : i32
        %sign3A_175 = arith.constant 0 : i32
        %sign3A_176 = arith.cmpi sgt, %jit3A_168, %sign3A_175 : i32
        %sign3A_177 = arith.extui %sign3A_176 : i1 to i32
        %sign3A_178 = arith.constant 0 : i32
        %sign3A_179 = arith.cmpi slt, %jit3A_168, %sign3A_178 : i32
        %sign3A_180 = arith.extui %sign3A_179 : i1 to i32
        %sign3A_181 = arith.subi %sign3A_177, %sign3A_180 : i32
        %ne3A_182 = arith.cmpi ne, %sign3A_174, %sign3A_181 : i32
        %rem3A_183 = arith.remsi %add3A_167, %jit3A_168 : i32
        %ne3A_184 = arith.constant 0 : i32
        %ne3A_185 = arith.cmpi ne, %rem3A_183, %ne3A_184 : i32
        %and3A_186 = arith.andi %ne3A_182, %ne3A_185 : i1
        %sub3A = arith.constant 1 : i32
        %sub3A_187 = arith.subi %div3A, %sub3A : i32
        %select_n3A_188 = arith.select %and3A_186, %sub3A_187, %div3A : i32
        %mul3A_189 = arith.constant 1024 : i32
        %mul3A_190 = arith.muli %select_n3A_188, %mul3A_189 : i32
        %add3A_191 = arith.addi %mul3A_2, %mul3A_190 : i32
        "tpu.region"() ({
          %run_scoped3A = tpu.sem_alloc : memref<!tpu.dma_semaphore, #tpu.memory_space<semaphore_mem>>
          %dma_start3A_192 = tpu.memref_slice %arg2[%add3A_191] : memref<819200xi32, #tpu.memory_space<hbm>> -> memref<1024xi32, #tpu.memory_space<hbm>>
          %dma_start3A_193 = tpu.memref_slice %arg2[%add3A_191] : memref<819200xi32, #tpu.memory_space<hbm>> -> memref<1024xi32, #tpu.memory_space<hbm>>
          tpu.enqueue_dma source(%dma_start3A_193 : memref<1024xi32, #tpu.memory_space<hbm>>) target(%arg5 : memref<1024xi32, #tpu.memory_space<vmem>>) target_semaphore(%run_scoped3A : memref<!tpu.dma_semaphore, #tpu.memory_space<semaphore_mem>>)
          %dma_wait3A_194 = tpu.memref_slice %arg2[%add3A_191] : memref<819200xi32, #tpu.memory_space<hbm>> -> memref<1024xi32, #tpu.memory_space<hbm>>
          %dma_wait3A_195 = tpu.memref_slice %arg2[%add3A_191] : memref<819200xi32, #tpu.memory_space<hbm>> -> memref<1024xi32, #tpu.memory_space<hbm>>
          tpu.wait_dma2 semaphore(%run_scoped3A : memref<!tpu.dma_semaphore, #tpu.memory_space<semaphore_mem>>) src(%dma_wait3A_195 : memref<1024xi32, #tpu.memory_space<hbm>>) dst(%arg5 : memref<1024xi32, #tpu.memory_space<vmem>>)
          tpu.yield
        }) : () -> ()
      } else {
      }
      %add3A_142 = arith.constant 1 : i32
      %add3A_143 = arith.addi %add3A_97, %add3A_142 : i32
      %lt3A_144 = arith.constant 100 : i32
      %lt3A_145 = arith.cmpi slt, %add3A_143, %lt3A_144 : i32
      %convert_element_type3A_146 = arith.extui %lt3A_145 : i1 to i32
      %cond3A_147 = arith.constant 0 : i32
      %cond3A_148 = arith.cmpi ne, %convert_element_type3A_146, %cond3A_147 : i32
      scf.if %cond3A_148 {
        %add3A_166 = arith.constant 1 : i32
        %add3A_167 = arith.addi %add3A_97, %add3A_166 : i32
        %jit3A_168 = arith.constant 4 : i32
        %eq3A_169 = arith.constant 0 : i32
        %eq3A_170 = arith.cmpi eq, %jit3A_168, %eq3A_169 : i32
        %jit3A_171 = arith.constant 1 : i32
        %select_n3A_172 = arith.select %eq3A_170, %jit3A_171, %jit3A_168 : i32
        %rem3A_173 = arith.remsi %add3A_167, %select_n3A_172 : i32
        %ne3A_174 = arith.constant 0 : i32
        %ne3A_175 = arith.cmpi ne, %rem3A_173, %ne3A_174 : i32
        %lt3A_176 = arith.constant 0 : i32
        %lt3A_177 = arith.cmpi slt, %rem3A_173, %lt3A_176 : i32
        %lt3A_178 = arith.constant 0 : i32
        %lt3A_179 = arith.cmpi slt, %select_n3A_172, %lt3A_178 : i32
        %ne3A_180 = arith.xori %lt3A_177, %lt3A_179 : i1
        %and3A_181 = arith.andi %ne3A_180, %ne3A_175 : i1
        %add3A_182 = arith.addi %rem3A_173, %select_n3A_172 : i32
        %select_n3A_183 = arith.select %and3A_181, %add3A_182, %rem3A_173 : i32
        %mul3A_184 = arith.constant 2 : i32
        %mul3A_185 = arith.muli %select_n3A_183, %mul3A_184 : i32
        %add3A_186 = arith.constant 0 : i32
        %add3A_187 = arith.addi %mul3A_185, %add3A_186 : i32
        %mul3A_188 = arith.constant 128 : i32
        %mul3A_189 = arith.muli %add3A_187, %mul3A_188 : i32
        %dma_start3A_190 = arith.constant 0 : i32
        %dma_start3A_191 = arith.constant 0 : i32
        %dma_start3A_192 = tpu.memref_slice %arg6[%dma_start3A_190, %dma_start3A_191] : memref<256x64xf32, #tpu.memory_space<vmem>> -> memref<128x64xf32, #tpu.memory_space<vmem>>
        %dma_start3A_193 = tpu.memref_slice %arg5[%mul3A_189] : memref<1024xi32, #tpu.memory_space<vmem>> -> memref<128xi32, #tpu.memory_space<vmem>>
        %dma_start3A_194 = arith.constant 0 : i32
        %dma_start3A_195 = arith.constant 0 : i32
        %dma_start3A_196 = tpu.memref_slice %arg3[%dma_start3A_194, %dma_start3A_195] : memref<1000000x64xf32, #tpu.memory_space<hbm>> -> memref<1000000x64xf32, #tpu.memory_space<hbm>>
        tpu.enqueue_indirect_dma source(%dma_start3A_196 : memref<1000000x64xf32, #tpu.memory_space<hbm>>) target(%dma_start3A_192 : memref<128x64xf32, #tpu.memory_space<vmem>>) offsets(%dma_start3A_193 : memref<128xi32, #tpu.memory_space<vmem>>) semaphore(%arg10 : memref<!tpu.dma_semaphore, #tpu.memory_space<semaphore_mem>>)
        %add3A_197 = arith.constant 1 : i32
        %add3A_198 = arith.addi %add3A_97, %add3A_197 : i32
        %jit3A_199 = arith.constant 4 : i32
        %eq3A_200 = arith.constant 0 : i32
        %eq3A_201 = arith.cmpi eq, %jit3A_199, %eq3A_200 : i32
        %jit3A_202 = arith.constant 1 : i32
        %select_n3A_203 = arith.select %eq3A_201, %jit3A_202, %jit3A_199 : i32
        %rem3A_204 = arith.remsi %add3A_198, %select_n3A_203 : i32
        %ne3A_205 = arith.constant 0 : i32
        %ne3A_206 = arith.cmpi ne, %rem3A_204, %ne3A_205 : i32
        %lt3A_207 = arith.constant 0 : i32
        %lt3A_208 = arith.cmpi slt, %rem3A_204, %lt3A_207 : i32
        %lt3A_209 = arith.constant 0 : i32
        %lt3A_210 = arith.cmpi slt, %select_n3A_203, %lt3A_209 : i32
        %ne3A_211 = arith.xori %lt3A_208, %lt3A_210 : i1
        %and3A_212 = arith.andi %ne3A_211, %ne3A_206 : i1
        %add3A_213 = arith.addi %rem3A_204, %select_n3A_203 : i32
        %select_n3A_214 = arith.select %and3A_212, %add3A_213, %rem3A_204 : i32
        %mul3A_215 = arith.constant 2 : i32
        %mul3A_216 = arith.muli %select_n3A_214, %mul3A_215 : i32
        %add3A_217 = arith.constant 1 : i32
        %add3A_218 = arith.addi %mul3A_216, %add3A_217 : i32
        %mul3A_219 = arith.constant 128 : i32
        %mul3A_220 = arith.muli %add3A_218, %mul3A_219 : i32
        %dma_start3A_221 = arith.constant 128 : i32
        %dma_start3A_222 = arith.constant 0 : i32
        %dma_start3A_223 = tpu.memref_slice %arg6[%dma_start3A_221, %dma_start3A_222] : memref<256x64xf32, #tpu.memory_space<vmem>> -> memref<128x64xf32, #tpu.memory_space<vmem>>
        %dma_start3A_224 = tpu.memref_slice %arg5[%mul3A_220] : memref<1024xi32, #tpu.memory_space<vmem>> -> memref<128xi32, #tpu.memory_space<vmem>>
        %dma_start3A_225 = arith.constant 0 : i32
        %dma_start3A_226 = arith.constant 0 : i32
        %dma_start3A_227 = tpu.memref_slice %arg3[%dma_start3A_225, %dma_start3A_226] : memref<1000000x64xf32, #tpu.memory_space<hbm>> -> memref<1000000x64xf32, #tpu.memory_space<hbm>>
        tpu.enqueue_indirect_dma source(%dma_start3A_227 : memref<1000000x64xf32, #tpu.memory_space<hbm>>) target(%dma_start3A_223 : memref<128x64xf32, #tpu.memory_space<vmem>>) offsets(%dma_start3A_224 : memref<128xi32, #tpu.memory_space<vmem>>) semaphore(%arg10 : memref<!tpu.dma_semaphore, #tpu.memory_space<semaphore_mem>>)
      } else {
      }
      %ge3A_149 = arith.constant 2 : i32
      %ge3A_150 = arith.cmpi sge, %add3A_97, %ge3A_149 : i32
      %convert_element_type3A_151 = arith.extui %ge3A_150 : i1 to i32
      %cond3A_152 = arith.constant 0 : i32
      %cond3A_153 = arith.cmpi ne, %convert_element_type3A_151, %cond3A_152 : i32
      scf.if %cond3A_153 {
        %dma_wait3A_166 = arith.constant 0 : i32
        %dma_wait3A_167 = tpu.memref_slice %arg4[%mul3A_4, %dma_wait3A_166] : memref<409600x128xf32, #tpu.memory_space<hbm>> -> memref<128x128xf32, #tpu.memory_space<hbm>>
        %dma_wait3A_168 = arith.constant 0 : i32
        %dma_wait3A_169 = tpu.memref_slice %arg4[%mul3A_4, %dma_wait3A_168] : memref<409600x128xf32, #tpu.memory_space<hbm>> -> memref<128x128xf32, #tpu.memory_space<hbm>>
        tpu.wait_dma2 semaphore(%arg13 : memref<!tpu.dma_semaphore, #tpu.memory_space<semaphore_mem>>) src(%arg9 : memref<128x128xf32, #tpu.memory_space<vmem>>) dst(%dma_wait3A_169 : memref<128x128xf32, #tpu.memory_space<hbm>>)
      } else {
      }
      %scan3A_154 = arith.constant 0 : i32
      %scan3A_155 = arith.constant 128 : i32
      %scan3A_156 = arith.addi %scan3A_154, %scan3A_155 : i32
      %scan3A_157 = arith.constant 1 : i32
      scf.for %scan3A_166 = %scan3A_154 to %scan3A_156 step %scan3A_157  : i32 {
        %mul3A_167 = arith.constant 2 : i32
        %mul3A_168 = arith.muli %mul3A_167, %scan3A_166 : i32
        %add3A_169 = arith.constant 0 : i32
        %add3A_170 = arith.addi %mul3A_168, %add3A_169 : i32
        %get3A = arith.index_cast %add3A_170 : i32 to index
        %get3A_171 = arith.constant 0 : index
        %get3A_172 = tpu.vector_load %arg7[%get3A, %get3A_171] {strides = array<i32>} : memref<256x64xf32, #tpu.memory_space<vmem>>, vector<1x16xf32>,
        %get3A_173 = vector.shape_cast %get3A_172 : vector<1x16xf32> to vector<16xf32>
        %mul3A_174 = arith.constant 8.000000e+00 : f32
        %mul3A_175 = vector.broadcast %mul3A_174 : f32 to vector<16xf32>
        %mul3A_176 = arith.mulf %get3A_173, %mul3A_175 : vector<16xf32>
        %swap3A = arith.index_cast %scan3A_166 : i32 to index
        %swap3A_177 = arith.constant 0 : index
        %swap3A_178 = tpu.vector_load %arg9[%swap3A, %swap3A_177] {strides = array<i32>} : memref<128x128xf32, #tpu.memory_space<vmem>>, vector<1x16xf32>,
        %swap3A_179 = vector.shape_cast %swap3A_178 : vector<1x16xf32> to vector<16xf32>
        %swap3A_180 = vector.shape_cast %mul3A_176 : vector<16xf32> to vector<1x16xf32>
        tpu.vector_store %arg9[%swap3A, %swap3A_177], %swap3A_180 {strides = array<i32>} : memref<128x128xf32, #tpu.memory_space<vmem>>, vector<1x16xf32>,
        %mul3A_181 = arith.constant 2 : i32
        %mul3A_182 = arith.muli %mul3A_181, %scan3A_166 : i32
        %add3A_183 = arith.constant 0 : i32
        %add3A_184 = arith.addi %mul3A_182, %add3A_183 : i32
        %get3A_185 = arith.index_cast %add3A_184 : i32 to index
        %get3A_186 = arith.constant 16 : index
        %get3A_187 = tpu.vector_load %arg7[%get3A_185, %get3A_186] {strides = array<i32>} : memref<256x64xf32, #tpu.memory_space<vmem>>, vector<1x16xf32>,
        %get3A_188 = vector.shape_cast %get3A_187 : vector<1x16xf32> to vector<16xf32>
        %mul3A_189 = arith.constant 8.000000e+00 : f32
        %mul3A_190 = vector.broadcast %mul3A_189 : f32 to vector<16xf32>
        %mul3A_191 = arith.mulf %get3A_188, %mul3A_190 : vector<16xf32>
        %swap3A_192 = arith.index_cast %scan3A_166 : i32 to index
        %swap3A_193 = arith.constant 16 : index
        %swap3A_194 = tpu.vector_load %arg9[%swap3A_192, %swap3A_193] {strides = array<i32>} : memref<128x128xf32, #tpu.memory_space<vmem>>, vector<1x16xf32>,
        %swap3A_195 = vector.shape_cast %swap3A_194 : vector<1x16xf32> to vector<16xf32>
        %swap3A_196 = vector.shape_cast %mul3A_191 : vector<16xf32> to vector<1x16xf32>
        tpu.vector_store %arg9[%swap3A_192, %swap3A_193], %swap3A_196 {strides = array<i32>} : memref<128x128xf32, #tpu.memory_space<vmem>>, vector<1x16xf32>,
        %mul3A_197 = arith.constant 2 : i32
        %mul3A_198 = arith.muli %mul3A_197, %scan3A_166 : i32
        %add3A_199 = arith.constant 0 : i32
        %add3A_200 = arith.addi %mul3A_198, %add3A_199 : i32
        %get3A_201 = arith.index_cast %add3A_200 : i32 to index
        %get3A_202 = arith.constant 32 : index
        %get3A_203 = tpu.vector_load %arg7[%get3A_201, %get3A_202] {strides = array<i32>} : memref<256x64xf32, #tpu.memory_space<vmem>>, vector<1x16xf32>,
        %get3A_204 = vector.shape_cast %get3A_203 : vector<1x16xf32> to vector<16xf32>
        %mul3A_205 = arith.constant 8.000000e+00 : f32
        %mul3A_206 = vector.broadcast %mul3A_205 : f32 to vector<16xf32>
        %mul3A_207 = arith.mulf %get3A_204, %mul3A_206 : vector<16xf32>
        %swap3A_208 = arith.index_cast %scan3A_166 : i32 to index
        %swap3A_209 = arith.constant 32 : index
        %swap3A_210 = tpu.vector_load %arg9[%swap3A_208, %swap3A_209] {strides = array<i32>} : memref<128x128xf32, #tpu.memory_space<vmem>>, vector<1x16xf32>,
        %swap3A_211 = vector.shape_cast %swap3A_210 : vector<1x16xf32> to vector<16xf32>
        %swap3A_212 = vector.shape_cast %mul3A_207 : vector<16xf32> to vector<1x16xf32>
        tpu.vector_store %arg9[%swap3A_208, %swap3A_209], %swap3A_212 {strides = array<i32>} : memref<128x128xf32, #tpu.memory_space<vmem>>, vector<1x16xf32>,
        %mul3A_213 = arith.constant 2 : i32
        %mul3A_214 = arith.muli %mul3A_213, %scan3A_166 : i32
        %add3A_215 = arith.constant 0 : i32
        %add3A_216 = arith.addi %mul3A_214, %add3A_215 : i32
        %get3A_217 = arith.index_cast %add3A_216 : i32 to index
        %get3A_218 = arith.constant 48 : index
        %get3A_219 = tpu.vector_load %arg7[%get3A_217, %get3A_218] {strides = array<i32>} : memref<256x64xf32, #tpu.memory_space<vmem>>, vector<1x16xf32>,
        %get3A_220 = vector.shape_cast %get3A_219 : vector<1x16xf32> to vector<16xf32>
        %mul3A_221 = arith.constant 8.000000e+00 : f32
        %mul3A_222 = vector.broadcast %mul3A_221 : f32 to vector<16xf32>
        %mul3A_223 = arith.mulf %get3A_220, %mul3A_222 : vector<16xf32>
        %swap3A_224 = arith.index_cast %scan3A_166 : i32 to index
        %swap3A_225 = arith.constant 48 : index
        %swap3A_226 = tpu.vector_load %arg9[%swap3A_224, %swap3A_225] {strides = array<i32>} : memref<128x128xf32, #tpu.memory_space<vmem>>, vector<1x16xf32>,
        %swap3A_227 = vector.shape_cast %swap3A_226 : vector<1x16xf32> to vector<16xf32>
        %swap3A_228 = vector.shape_cast %mul3A_223 : vector<16xf32> to vector<1x16xf32>
        tpu.vector_store %arg9[%swap3A_224, %swap3A_225], %swap3A_228 {strides = array<i32>} : memref<128x128xf32, #tpu.memory_space<vmem>>, vector<1x16xf32>,
        %mul3A_229 = arith.constant 2 : i32
        %mul3A_230 = arith.muli %mul3A_229, %scan3A_166 : i32
        %add3A_231 = arith.constant 1 : i32
        %add3A_232 = arith.addi %mul3A_230, %add3A_231 : i32
        %get3A_233 = arith.index_cast %add3A_232 : i32 to index
        %get3A_234 = arith.constant 0 : index
        %get3A_235 = tpu.vector_load %arg7[%get3A_233, %get3A_234] {strides = array<i32>} : memref<256x64xf32, #tpu.memory_space<vmem>>, vector<1x16xf32>,
        %get3A_236 = vector.shape_cast %get3A_235 : vector<1x16xf32> to vector<16xf32>
        %mul3A_237 = arith.constant 8.000000e+00 : f32
        %mul3A_238 = vector.broadcast %mul3A_237 : f32 to vector<16xf32>
        %mul3A_239 = arith.mulf %get3A_236, %mul3A_238 : vector<16xf32>
        %swap3A_240 = arith.index_cast %scan3A_166 : i32 to index
        %swap3A_241 = arith.constant 64 : index
        %swap3A_242 = tpu.vector_load %arg9[%swap3A_240, %swap3A_241] {strides = array<i32>} : memref<128x128xf32, #tpu.memory_space<vmem>>, vector<1x16xf32>,
        %swap3A_243 = vector.shape_cast %swap3A_242 : vector<1x16xf32> to vector<16xf32>
        %swap3A_244 = vector.shape_cast %mul3A_239 : vector<16xf32> to vector<1x16xf32>
        tpu.vector_store %arg9[%swap3A_240, %swap3A_241], %swap3A_244 {strides = array<i32>} : memref<128x128xf32, #tpu.memory_space<vmem>>, vector<1x16xf32>,
        %mul3A_245 = arith.constant 2 : i32
        %mul3A_246 = arith.muli %mul3A_245, %scan3A_166 : i32
        %add3A_247 = arith.constant 1 : i32
        %add3A_248 = arith.addi %mul3A_246, %add3A_247 : i32
        %get3A_249 = arith.index_cast %add3A_248 : i32 to index
        %get3A_250 = arith.constant 16 : index
        %get3A_251 = tpu.vector_load %arg7[%get3A_249, %get3A_250] {strides = array<i32>} : memref<256x64xf32, #tpu.memory_space<vmem>>, vector<1x16xf32>,
        %get3A_252 = vector.shape_cast %get3A_251 : vector<1x16xf32> to vector<16xf32>
        %mul3A_253 = arith.constant 8.000000e+00 : f32
        %mul3A_254 = vector.broadcast %mul3A_253 : f32 to vector<16xf32>
        %mul3A_255 = arith.mulf %get3A_252, %mul3A_254 : vector<16xf32>
        %swap3A_256 = arith.index_cast %scan3A_166 : i32 to index
        %swap3A_257 = arith.constant 80 : index
        %swap3A_258 = tpu.vector_load %arg9[%swap3A_256, %swap3A_257] {strides = array<i32>} : memref<128x128xf32, #tpu.memory_space<vmem>>, vector<1x16xf32>,
        %swap3A_259 = vector.shape_cast %swap3A_258 : vector<1x16xf32> to vector<16xf32>
        %swap3A_260 = vector.shape_cast %mul3A_255 : vector<16xf32> to vector<1x16xf32>
        tpu.vector_store %arg9[%swap3A_256, %swap3A_257], %swap3A_260 {strides = array<i32>} : memref<128x128xf32, #tpu.memory_space<vmem>>, vector<1x16xf32>,
        %mul3A_261 = arith.constant 2 : i32
        %mul3A_262 = arith.muli %mul3A_261, %scan3A_166 : i32
        %add3A_263 = arith.constant 1 : i32
        %add3A_264 = arith.addi %mul3A_262, %add3A_263 : i32
        %get3A_265 = arith.index_cast %add3A_264 : i32 to index
        %get3A_266 = arith.constant 32 : index
        %get3A_267 = tpu.vector_load %arg7[%get3A_265, %get3A_266] {strides = array<i32>} : memref<256x64xf32, #tpu.memory_space<vmem>>, vector<1x16xf32>,
        %get3A_268 = vector.shape_cast %get3A_267 : vector<1x16xf32> to vector<16xf32>
        %mul3A_269 = arith.constant 8.000000e+00 : f32
        %mul3A_270 = vector.broadcast %mul3A_269 : f32 to vector<16xf32>
        %mul3A_271 = arith.mulf %get3A_268, %mul3A_270 : vector<16xf32>
        %swap3A_272 = arith.index_cast %scan3A_166 : i32 to index
        %swap3A_273 = arith.constant 96 : index
        %swap3A_274 = tpu.vector_load %arg9[%swap3A_272, %swap3A_273] {strides = array<i32>} : memref<128x128xf32, #tpu.memory_space<vmem>>, vector<1x16xf32>,
        %swap3A_275 = vector.shape_cast %swap3A_274 : vector<1x16xf32> to vector<16xf32>
        %swap3A_276 = vector.shape_cast %mul3A_271 : vector<16xf32> to vector<1x16xf32>
        tpu.vector_store %arg9[%swap3A_272, %swap3A_273], %swap3A_276 {strides = array<i32>} : memref<128x128xf32, #tpu.memory_space<vmem>>, vector<1x16xf32>,
        %mul3A_277 = arith.constant 2 : i32
        %mul3A_278 = arith.muli %mul3A_277, %scan3A_166 : i32
        %add3A_279 = arith.constant 1 : i32
        %add3A_280 = arith.addi %mul3A_278, %add3A_279 : i32
        %get3A_281 = arith.index_cast %add3A_280 : i32 to index
        %get3A_282 = arith.constant 48 : index
        %get3A_283 = tpu.vector_load %arg7[%get3A_281, %get3A_282] {strides = array<i32>} : memref<256x64xf32, #tpu.memory_space<vmem>>, vector<1x16xf32>,
        %get3A_284 = vector.shape_cast %get3A_283 : vector<1x16xf32> to vector<16xf32>
        %mul3A_285 = arith.constant 8.000000e+00 : f32
        %mul3A_286 = vector.broadcast %mul3A_285 : f32 to vector<16xf32>
        %mul3A_287 = arith.mulf %get3A_284, %mul3A_286 : vector<16xf32>
        %swap3A_288 = arith.index_cast %scan3A_166 : i32 to index
        %swap3A_289 = arith.constant 112 : index
        %swap3A_290 = tpu.vector_load %arg9[%swap3A_288, %swap3A_289] {strides = array<i32>} : memref<128x128xf32, #tpu.memory_space<vmem>>, vector<1x16xf32>,
        %swap3A_291 = vector.shape_cast %swap3A_290 : vector<1x16xf32> to vector<16xf32>
        %swap3A_292 = vector.shape_cast %mul3A_287 : vector<16xf32> to vector<1x16xf32>
        tpu.vector_store %arg9[%swap3A_288, %swap3A_289], %swap3A_292 {strides = array<i32>} : memref<128x128xf32, #tpu.memory_space<vmem>>, vector<1x16xf32>,
      }
      %scan3A_158 = arith.constant 128 : i32
      %mul3A_159 = arith.constant 128 : i32
      %mul3A_160 = arith.muli %add3A_97, %mul3A_159 : i32
      %add3A_161 = arith.addi %mul3A_4, %mul3A_160 : i32
      %dma_start3A_162 = arith.constant 0 : i32
      %dma_start3A_163 = tpu.memref_slice %arg4[%add3A_161, %dma_start3A_162] : memref<409600x128xf32, #tpu.memory_space<hbm>> -> memref<128x128xf32, #tpu.memory_space<hbm>>
      %dma_start3A_164 = arith.constant 0 : i32
      %dma_start3A_165 = tpu.memref_slice %arg4[%add3A_161, %dma_start3A_164] : memref<409600x128xf32, #tpu.memory_space<hbm>> -> memref<128x128xf32, #tpu.memory_space<hbm>>
      tpu.enqueue_dma source(%arg9 : memref<128x128xf32, #tpu.memory_space<vmem>>) target(%dma_start3A_165 : memref<128x128xf32, #tpu.memory_space<hbm>>) target_semaphore(%arg13 : memref<!tpu.dma_semaphore, #tpu.memory_space<semaphore_mem>>)
    }
    %scan3A_25 = arith.constant 50 : i32
    %dma_wait3A = arith.constant 0 : i32
    %dma_wait3A_26 = tpu.memref_slice %arg4[%mul3A_4, %dma_wait3A] : memref<409600x128xf32, #tpu.memory_space<hbm>> -> memref<128x128xf32, #tpu.memory_space<hbm>>
    %dma_wait3A_27 = arith.constant 0 : i32
    %dma_wait3A_28 = tpu.memref_slice %arg4[%mul3A_4, %dma_wait3A_27] : memref<409600x128xf32, #tpu.memory_space<hbm>> -> memref<128x128xf32, #tpu.memory_space<hbm>>
    tpu.wait_dma2 semaphore(%arg12 : memref<!tpu.dma_semaphore, #tpu.memory_space<semaphore_mem>>) src(%arg8 : memref<128x128xf32, #tpu.memory_space<vmem>>) dst(%dma_wait3A_28 : memref<128x128xf32, #tpu.memory_space<hbm>>)
    %dma_wait3A_29 = arith.constant 0 : i32
    %dma_wait3A_30 = tpu.memref_slice %arg4[%mul3A_4, %dma_wait3A_29] : memref<409600x128xf32, #tpu.memory_space<hbm>> -> memref<128x128xf32, #tpu.memory_space<hbm>>
    %dma_wait3A_31 = arith.constant 0 : i32
    %dma_wait3A_32 = tpu.memref_slice %arg4[%mul3A_4, %dma_wait3A_31] : memref<409600x128xf32, #tpu.memory_space<hbm>> -> memref<128x128xf32, #tpu.memory_space<hbm>>
    tpu.wait_dma2 semaphore(%arg13 : memref<!tpu.dma_semaphore, #tpu.memory_space<semaphore_mem>>) src(%arg9 : memref<128x128xf32, #tpu.memory_space<vmem>>) dst(%dma_wait3A_32 : memref<128x128xf32, #tpu.memory_space<hbm>>)
    return
  }
}

</mosaic_0001>

<sc_bundles>
// kernel: _embed.3.cloned.1.call-start
scs
__scs_entry_jumppad:
0x0: {  	(pc) =	sbr.rel $0x88, $3  }
0x1: {  	(tag) =	ssettag $0x0;
	lr =	simm.s32 $0x1  }
0x2: {  	[smem:$0x3F9F] =	sst lr;
	_ =	strace $0xD0000000  }
0x3: {  	_ = 	snop  }
0x4: {  	_ = 	snop  }
0x5: {  	_ = 	snop  }
0x6: {  	_ = 	snop  }
0x7: {  	_ = 	snop  }
__scs_overlays_trampoline_lowered:
0x8: {  	[smem:$0x3FAE] =	sst s0  }
0x9: {  	[smem:$0x3FAF] =	sst s1  }
0xa: {  	[smem:$0x3FB0] =	sst s2  }
0xb: {  	[smem:$0x3FB1] =	sst s3  }
0xc: {  	[smem:$0x3FB2] =	sst s4  }
0xd: {  	[smem:$0x3FB3] =	sst s5  }
0xe: {  	[smem:$0x3FB4] =	sst s6  }
0xf: {  	[smem:$0x3FB5] =	sst s7  }
0x10: {  	[smem:$0x3FB6] =	sst s8  }
0x11: {  	[smem:$0x3FB7] =	sst s9;
	s0 =	simm.s32 @!p0 $0x0  }
0x12: {  	s1 =	sld [smem:$0x3F9D];
	s0 =	simm.s32 @p0 $0x1  }
0x13: {  	[smem:$0x3FB8] =	sst s0;
	s0 =	simm.s32 @!p1 $0x0  }
0x14: {  	s2 =	sld [smem:$0x3F9C];
	s0 =	simm.s32 @p1 $0x1  }
0x15: {  	[smem:$0x3FB9] =	sst s0;
	s0 =	simm.s32 @!p2 $0x0  }
0x16: {  	s3 =	sld [smem:$0x3FDB];
	s0 =	simm.s32 @p2 $0x1  }
0x17: {  	s4 =	simm.s32 $0x1BF5;
	[smem:$0x3FBB] =	sst s0  }
0x18: {  	s0 =	sld [smem:$0x3F9E];
	_ =	swait.ge [sflag:s4], $0x0  }
0x19: {  	s7 =	sld [smem:$0x3F9F]  }
0x1a: {  	s8 =	sadd.s32 $0xFFFFE003, lr  }
0x1b: {  	s9 =	sadd.s32 $0xFFFFFEF7, lr;
	s5 =	simm.s32 $0xFFFFFFFF;
	p2 =	slt.u32 s8, $0xFFFFF086  }
0x1c: {  	p1 =	slt.u32 s9, $0xF7A;
	s5 =	simm.s32 @!p2 $0x0  }
0x1d: {  	s5 =	simm.s32 @p1 $0x1;
	p0 =	seq.s32 s7, s2  }
0x1e: {  	s7 =	smul.u32 @!p0 $0xF7A, s2;
	p2 =	seq.s32 @!p0 s5, $0x0  }
0x1f: {  	s9 =	smul.u32 $0xF7A, s1;
	s8 =	simm.s32 @!p0 $0x1BF5;
	p2 =	por !p2, p0  }
0x20: {  	[sflag:s8] =	ssyncset.s32 @!p0 $0xFFFFF086;
	s6 =	sadd.s32 @!p0 s3, s7;
	s7 =	simm.s32 @!p0 $0x108  }
0x21: {  	s3 =	sadd.s32 s3, s9;
	s6 =	sadd.s32 @!p0 $0x88, s6;
	s7 =	simm.s32 @p2 $0x1082  }
0x22: {  	[simem:s7], [sflag:s8] =	dma.local @!p0 [hbm:s6], $0xF7A  }
0x23: {  	s9 =	sor.u32 $0xD0000000, s2;
	s6 =	simm.s32 $0x108;
	_ =	swait.ge @!p0 [sflag:s8], $0x0  }
0x24: {  	s3 =	sadd.s32 $0x88, s3;
	s6 =	simm.s32 @!p1 $0x1082;
	[sflag:s4] =	ssyncset.s32 $0xFFFFF086  }
0x25: {  	[simem:s6], [sflag:s4] =	dma.local [hbm:s3], $0xF7A  }
0x26: {  	[smem:$0x3F9F] =	sst s1;
	(tag) =	ssettag s2;
	_ =	strace s9  }
0x27: {  	s1 =	sld [smem:$0x3FAF]  }
0x28: {  	s2 =	sld [smem:$0x3FB0]  }
0x29: {  	s4 =	sld [smem:$0x3FB2]  }
0x2a: {  	p0 =	seq.s32 s5, $0x0;
	s5 =	sld [smem:$0x3FB3]  }
0x2b: {  	s6 =	sld [smem:$0x3FB4]  }
0x2c: {  	s7 =	sld [smem:$0x3FB5]  }
0x2d: {  	s3 =	simm.s32 $0x108;
	s8 =	sld [smem:$0x3FB6]  }
0x2e: {  	s3 =	simm.s32 @!p0 $0x1082;
	s9 =	sld [smem:$0x3FB7]  }
0x2f: {  	lr =	sadd.s32 s0, s3;
	s0 =	sld [smem:$0x3FAE]  }
0x30: {  	s3 =	sld [smem:$0x3FB1]  }
0x31: {  	[smem:$0x3FBA] =	sst s10  }
0x32: {  	s10 =	sld [smem:$0x3FB8];
	_ =	sdelay $0x3  }
0x33: {  	p0 =	seq.s32 s10, $0x1;
	s10 =	sld [smem:$0x3FBA];
	_ =	sdelay $0x3  }
0x34: {  	[smem:$0x3FBA] =	sst s10  }
0x35: {  	s10 =	sld [smem:$0x3FB9];
	_ =	sdelay $0x3  }
0x36: {  	p1 =	seq.s32 s10, $0x1;
	s10 =	sld [smem:$0x3FBA];
	_ =	sdelay $0x3  }
0x37: {  	[smem:$0x3FBA] =	sst s10  }
0x38: {  	s10 =	sld [smem:$0x3FBB]  }
0x39: {  	_ = 	snop;
	(pc) =	sbr.ind lr, $3  }
0x3a: {  	_ = 	snop  }
0x3b: {  	_ = 	snop  }
0x3c: {  	p2 =	seq.s32 s10, $0x1;
	s10 =	sld [smem:$0x3FBA]  }
0x3d: {  	_ =	shalt  }
0x3e: {  	_ =	shalt  }
0x3f: {  	_ =	shalt  }
0x40: {  	_ =	shalt  }
0x41: {  	_ =	shalt  }
0x42: {  	_ =	shalt  }
0x43: {  	_ =	shalt  }
0x44: {  	_ =	shalt  }
0x45: {  	_ =	shalt  }
0x46: {  	_ =	shalt  }
0x47: {  	_ =	shalt  }
0x48: {  	_ =	shalt  }
0x49: {  	_ =	shalt  }
0x4a: {  	_ =	shalt  }
0x4b: {  	_ =	shalt  }
0x4c: {  	_ =	shalt  }
0x4d: {  	_ =	shalt  }
0x4e: {  	_ =	shalt  }
0x4f: {  	_ =	shalt  }
0x50: {  	_ =	shalt  }
0x51: {  	_ =	shalt  }
0x52: {  	_ =	shalt  }
0x53: {  	_ =	shalt  }
0x54: {  	_ =	shalt  }
0x55: {  	_ =	shalt  }
0x56: {  	_ =	shalt  }
0x57: {  	_ =	shalt  }
0x58: {  	_ =	shalt  }
0x59: {  	_ =	shalt  }
0x5a: {  	_ =	shalt  }
0x5b: {  	_ =	shalt  }
0x5c: {  	_ =	shalt  }
0x5d: {  	_ =	shalt  }
0x5e: {  	_ =	shalt  }
0x5f: {  	_ =	shalt  }
0x60: {  	_ =	shalt  }
0x61: {  	_ =	shalt  }
0x62: {  	_ =	shalt  }
0x63: {  	_ =	shalt  }
0x64: {  	_ =	shalt  }
0x65: {  	_ =	shalt  }
0x66: {  	_ =	shalt  }
0x67: {  	_ =	shalt  }
0x68: {  	_ =	shalt  }
0x69: {  	_ =	shalt  }
0x6a: {  	_ =	shalt  }
0x6b: {  	_ =	shalt  }
0x6c: {  	_ =	shalt  }
0x6d: {  	_ =	shalt  }
0x6e: {  	_ =	shalt  }
0x6f: {  	_ =	shalt  }
0x70: {  	_ =	shalt  }
0x71: {  	_ =	shalt  }
0x72: {  	_ =	shalt  }
0x73: {  	_ =	shalt  }
0x74: {  	_ =	shalt  }
0x75: {  	_ =	shalt  }
0x76: {  	_ =	shalt  }
0x77: {  	_ =	shalt  }
0x78: {  	_ =	shalt  }
0x79: {  	_ =	shalt  }
0x7a: {  	_ =	shalt  }
0x7b: {  	_ =	shalt  }
0x7c: {  	_ =	shalt  }
0x7d: {  	_ =	shalt  }
0x7e: {  	_ =	shalt  }
0x7f: {  	_ =	shalt  }
0x80: {  	_ =	shalt  }
0x81: {  	_ =	shalt  }
0x82: {  	_ =	shalt  }
0x83: {  	_ =	shalt  }
0x84: {  	_ =	shalt  }
0x85: {  	_ =	shalt  }
0x86: {  	_ =	shalt  }
0x87: {  	_ =	shalt  }
.Lfunc_end0:
.L_simem_size_0:
called_computation_lowered:
.L_overlay_start_0:
0x88: {  	s2 =	sld [smem:$0x3FD9]  }
0x89: {  	s3 =	sld [smem:$0x3FFE];
	_ =	sdelay $0x1  }
0x8a: {  	s1 =	srdreg.scid  }
0x8b: {  	s0 =	sand.u32 $0x1, s1  }
0x8c: {  	s17 =	sshll.u32 s0, $0xA;
	s2 =	sadd.s32 s3, s2  }
0x8d: {  	s2 =	sadd.s32 s2, s17  }
0x8e: {  	[smem:$0x3FC6] =	sst s2  }
0x8f: {  	_ = 	snop  }
0x90: {  	s2 =	sld [smem:$0x3FC9]  }
0x91: {  	s18 =	sld [smem:$0x3FD0];
	(tm) =	ssettm $0x1  }
0x92: {  	s4 =	sld [smem:$0x3FFB];
	_ =	sdelay $0x3  }
0x93: {  	_ =	strace s4  }
0x94: {  	s4 =	sld [smem:$0x3FFC];
	_ =	sdelay $0x3  }
0x95: {  	_ =	strace s4  }
0x96: {  	s4 =	sld [smem:$0x3FFD];
	_ =	sdelay $0x3  }
0x97: {  	_ =	strace s4  }
0x98: {  	_ =	strace $0x8FFFFFFF  }
0x99: {  	s19 =	sld [smem:$0x3FDB];
	_ =	sdelay $0x1  }
0x9a: {  	s5 =	simm.s32 $_scs_section_size  }
0x9b: {  	s6 =	simm.s32 $_size__tile_overlayer_lowered;
	s7 =	simm.s32 $_tile_overlayer_lowered  }
0x9c: {  	s22 =	simm.s32 $0x1BFF;
	s21 =	sshll.u32 s7, $0x1;
	s4 =	sadd.s32 s5, s19  }
0x9d: {  	s8 =	simm.s32 $0x0;
	s20 =	sshll.u32 s6, $0x1;
	s6 =	sadd.s32 s21, s4  }
0x9e: {  	[timem:s8], [sflag:s22] =	dma.local [hbm:s6], s20  }
0x9f: {  	_ =	swait.ge [sflag:s22], s20  }
0xa0: {  	s5 =	ssub.s32 $0x0, s20;
	[sflag:s22] =	ssyncset.done $0x0  }
0xa1: {  	[sflag:s22] =	ssyncadd.s32 s5;
	_ =	sdelay $0x1  }
0xa2: {  	s23 =	simm.s32 $0x1B8B  }
0xa3: {  	_ =	swait.ge [sflag:s23], $0x1  }
0xa4: {  	[sflag:s23] =	ssyncset.done $0x0  }
0xa5: {  	s25 =	simm.s32 $0x1B8E;
	s24 =	sld [smem:$0x3FFE];
	[sflag:s23] =	ssyncadd.s32 $0xFFFFFFFF  }
0xa6: {  	s26 =	simm.s32 $execute0_lowered;
	[smem:$0x3FD2] =	sst s25  }
0xa7: {  	s6 =	sshll.u32 s26, $0x1;
	_ =	strace $0x80000046;
	[dreg:$0x1] =	wrdreg $0xFFFFFFFF  }
0xa8: {  	s28 =	simm.s32 $_size_execute0_lowered;
	s4 =	sadd.s32 s4, s6;
	[dreg:$0x0] =	wrdreg $0x0  }
0xa9: {  	s6 =	sshll.u32 s28, $0x1;
	[dreg:$0x2] =	wrdreg s4  }
0xaa: {  	[dreg:$0x3] =	wrdreg s6  }
0xab: {  	[dreg:$0x4] =	wrdreg $0xC0  }
0xac: {  	_ =	task [dreg:s8], $0x5FFFF  }
0xad: {  	[dreg:$0x1] =	wrdreg $0xFFFFFFFF  }
0xae: {  	[dreg:$0x0] =	wrdreg $0x60  }
0xaf: {  	[dreg:$0x2] =	wrdreg s2  }
0xb0: {  	[dreg:$0x3] =	wrdreg s24  }
0xb1: {  	[dreg:$0x4] =	wrdreg s18  }
0xb2: {  	[dreg:$0x5] =	wrdreg $0x9  }
0xb3: {  	_ =	task.clear_ibuf [dreg:s8], $0x6FFFF;
	_ =	strace $0x90000046  }
0xb4: {  	s29 =	simm.s32 $0x9;
	_ =	strace $0x80000048  }
0xb5: {  	_ =	swait.ge [sflag:s29], $0x1  }
0xb6: {  	[sflag:s29] =	ssyncadd.s32 $0xFFFFFFFF  }
0xb7: {  	_ =	strace $0x90000048  }
0xb8: {  	_ =	sfence  }
0xb9: {  	s30 =	sld [smem:$0x0];
	_ =	sdelay $0x2  }
0xba: {  	s31 =	sshll.u32 s1, $0xD;
	s1 =	sshrl.u32 s1, $0x2  }
0xbb: {  	s3 =	sand.u32 $0x4000, s31;
	s1 =	sadd.s32 s1, s30  }
0xbc: {  	s0 =	sor.u32 s3, s0;
	s1 =	sshll.u32 s1, $0x11  }
0xbd: {  	s0 =	sor.u32 s1, s0  }
0xbe: {  	s0 =	sadd.s32 $0x8F2B, s0  }
0xbf: {  	[sflag:s0] =	ssyncadd.remote.s32 $0x1  }
0xc0: {  	_ =	sfence.sel $0xFFFF  }
0xc1: {  	[dreg:$0x0] =	wrdreg $0xFFFFFFFF;
	(pc) =	sbr.abs _section_cstart, $3  }
0xc2: {  	[dreg:$0x1] =	wrdreg $0xFFFFFFFF  }
0xc3: {  	_ =	task.clear_ibuf [dreg:s8], $0x2FFFF;
	_ =	strace $0x9FFFFFFF  }
0xc4: {  	(tm) =	ssettm $0x7FFFFFFF  }
0xc5: {  	_ =	shalt  }
tec
execute0_lowered:
.L_overlay_start_1:
0x0: {  	(tag) =	ssettag $0x1  }
0x1: {  	s1 =	rddreg [dreg:$0x0];
	s2 =	srdreg.scid  }
0x2: {  	s0 =	stileid.u32;
	s6 =	rddreg [dreg:$0x1]  }
0x3: {  	s3 =	rddreg [dreg:$0x2];
	s4 =	simm.s32 $0x0;
	s11 =	simm.s32 $0x80  }
0x4: {  	s12 =	simm.s32 $0x400;
	s13 =	simm.s32 $0x2400;
	s14 =	simm.s32 $0x1  }
0x5: {  	s15 =	simm.s32 $0x4400;
	s16 =	simm.s32 $0x6400;
	s17 =	simm.s32 $0x8400  }
0x6: {  	s18 =	simm.s32 $0x2;
	s19 =	simm.s32 $0xC400;
	s20 =	simm.s32 $0x3  }
0x7: {  	s21 =	simm.s32 $0x4;
	s7 =	sand.u32 $0x1, s2;
	s31 =	sshll.u32 s0, $0x1  }
0x8: {  	s22 =	simm.s32 $0x0;
	s2 =	rddreg [dreg:$0x3];
	s8 =	sor.u32 s7, s31  }
0x9: {  	[smem:$0x7FF] =	sst s4;
	s7 =	ssub.s32 $0x2, s7;
	s5 =	smul.u32 $0x6400, s8  }
0xa: {  	s6 =	sadd.s32 $0xF42800, s6;
	_ =	strace $0x80000047;
	s9 =	sshrl.u32 s7, $0x1  }
0xb: {  	s8 =	smul.u32 $0x190000, s8;
	s9 =	ssub.s32 s7, s9;
	s10 =	sshrl.u32 s5, $0x3  }
0xc: {  	s9 =	smax.u32 s9, $0x1;
	s7 =	sadd.s32 s1, s10;
	s10 =	simm.s32 $0x5  }
.LBB2_1:
0xd: {  	[tilespmem:s4], [sflag:$0x5] =	stream.linear.gather [hbm4b:s7+s4], $0x400, $0x38;
	[tilespmem:$0x10400] =	vst v63  }
0xe: {  	_ =	swait.ge [sflag:s10], $0x400  }
0xf: {  	[sflag:s10] =	ssyncset.done $0x0  }
0x10: {  	[sflag:s10] =	ssyncadd.s32 $0xFFFFFC00  }
0x11: {  	[tilespmem:s12], [sflag:$0x1] =	stream.indirect.gather [hbm4b:s6+s11], $0x40, s4, s11, $0xb8;
	[tilespmem:$0x10400] =	vst v63  }
0x12: {  	s23 =	simm.s32 $0x0  }
0x13: {  	[tilespmem:s13], [sflag:$0x1] =	stream.indirect.gather [hbm4b:s6+s11], $0x40, s11, s11, $0xb8;
	[tilespmem:$0x10400] =	vst v63  }
.LBB2_2:
0x14: {  	_ =	swait.ge [sflag:s14], $0x2000  }
0x15: {  	[sflag:s14] =	ssyncset.done $0x0  }
0x16: {  	[sflag:s14] =	ssyncadd.s32 $0xFFFFE000  }
0x17: {  	s24 =	sshllo.u32 s23, $0x1;
	_ =	swait.ge [sflag:s14], $0x2000  }
0x18: {  	s25 =	sshll.u32 s24, $0x8;
	[sflag:s14] =	ssyncset.done $0x0  }
0x19: {  	s25 =	sand.u32 $0x300, s25;
	[sflag:s14] =	ssyncadd.s32 $0xFFFFE000  }
0x1a: {  	[tilespmem:s15], [sflag:$0x2] =	stream.indirect.gather [hbm4b:s6+s11], $0x40, s25, s11, $0xb8;
	[tilespmem:$0x10400] =	vst v63  }
0x1b: {  	p0 =	seq.s32 s23, $0x0;
	s25 =	sor.u32 $0x80, s25  }
0x1c: {  	[tilespmem:s16], [sflag:$0x2] =	stream.indirect.gather [hbm4b:s6+s11], $0x40, s25, s11, $0xb8;
	[tilespmem:$0x10400] =	vst v63  }
0x1d: {  	s25 =	simm.s32 @!p0 $0x3  }
0x1e: {  	_ =	swait.ge @!p0 [sflag:s25], $0x4000  }
0x1f: {  	[sflag:s25] =	ssyncset.done @!p0 $0x0  }
0x20: {  	s28 =	simm.s32 $0x0;
	[sflag:s25] =	ssyncadd.s32 @!p0 $0xFFFFC000  }
0x21: {  	v1 =	vld [tilespmem:s28+$0x470]  }
0x22: {  	v5 =	vld [tilespmem:s28+$0x400]  }
0x23: {  	v6 =	vld [tilespmem:s28+$0x410]  }
0x24: {  	v4 =	vld [tilespmem:s28+$0x420]  }
0x25: {  	v3 =	vld [tilespmem:s28+$0x430]  }
0x26: {  	v0 =	vld [tilespmem:s28+$0x440];
	v7 =	vmul.f32 $8.000000000e+00, v1  }
0x27: {  	v1 =	vld [tilespmem:s28+$0x450];
	v5 =	vmul.f32 $8.000000000e+00, v5  }
0x28: {  	s26 =	simm.s32 $0x80;
	s29 =	simm.s32 $0x400;
	s25 =	sshll.u32 s23, $0x1;
	v2 =	vld [tilespmem:s28+$0x460];
	v6 =	vmul.f32 $8.000000000e+00, v6;
	[tilespmem:s28+$0x8470] =	vst v7  }
.LBB2_3:
0x29: {  	p1 =	sne.s32 s29, $0xFE00;
	v7 =	vld [tilespmem:s26+$0x470];
	[tilespmem:s28+$0x8400] =	vst v5;
	v4 =	vmul.f32 $8.000000000e+00, v4  }
0x2a: {  	v5 =	vld [tilespmem:s26+$0x400];
	[tilespmem:s28+$0x8410] =	vst v6;
	v3 =	vmul.f32 $8.000000000e+00, v3  }
0x2b: {  	v6 =	vld [tilespmem:s26+$0x410];
	[tilespmem:s28+$0x8420] =	vst v4;
	v0 =	vmul.f32 $8.000000000e+00, v0  }
.Ltmp0:
0x2c: {  	v4 =	vld [tilespmem:s26+$0x420];
	[tilespmem:s28+$0x8430] =	vst v3;
	v1 =	vmul.f32 $8.000000000e+00, v1;
	(pc) =	sbr.rel @p1 .LBB2_3-.Ltmp0, $4  }
0x2d: {  	v3 =	vld [tilespmem:s26+$0x430];
	[tilespmem:s28+$0x8440] =	vst v0;
	v2 =	vmul.f32 $8.000000000e+00, v2  }
0x2e: {  	v0 =	vld [tilespmem:s26+$0x440];
	v7 =	vmul.f32 $8.000000000e+00, v7;
	[tilespmem:s28+$0x8450] =	vst v1  }
0x2f: {  	v5 =	vmul.f32 $8.000000000e+00, v5;
	v1 =	vld [tilespmem:s26+$0x450];
	[tilespmem:s28+$0x8460] =	vst v2;
	s28 =	smov.u32 s26  }
0x30: {  	s26 =	sshra.s32 s29, $0x2;
	s29 =	sadd.s32 $0x200, s29;
	v6 =	vmul.f32 $8.000000000e+00, v6;
	v2 =	vld [tilespmem:s28+$0x460];
	[tilespmem:s28+$0x8470] =	vst v7  }
0x31: {  	v7 =	vld [tilespmem:s26+$0x470];
	[tilespmem:s28+$0x8400] =	vst v5;
	v4 =	vmul.f32 $8.000000000e+00, v4  }
0x32: {  	v5 =	vld [tilespmem:s26+$0x400];
	[tilespmem:s28+$0x8410] =	vst v6;
	v3 =	vmul.f32 $8.000000000e+00, v3  }
0x33: {  	v6 =	vld [tilespmem:s26+$0x410];
	[tilespmem:s28+$0x8420] =	vst v4;
	v0 =	vmul.f32 $8.000000000e+00, v0  }
0x34: {  	v4 =	vld [tilespmem:s26+$0x420];
	[tilespmem:s28+$0x8430] =	vst v3;
	v1 =	vmul.f32 $8.000000000e+00, v1  }
0x35: {  	v3 =	vld [tilespmem:s26+$0x430];
	[tilespmem:s28+$0x8440] =	vst v0;
	v2 =	vmul.f32 $8.000000000e+00, v2  }
0x36: {  	v0 =	vld [tilespmem:s26+$0x440];
	[tilespmem:s28+$0x8450] =	vst v1;
	v7 =	vmul.f32 $8.000000000e+00, v7  }
0x37: {  	v1 =	vld [tilespmem:s26+$0x450];
	[tilespmem:s28+$0x8460] =	vst v2;
	v60 =	vmul.f32 $8.000000000e+00, v5  }
0x38: {  	v61 =	vld [tilespmem:s26+$0x460];
	v6 =	vmul.f32 $8.000000000e+00, v6;
	[tilespmem:s26+$0x8470] =	vst v7  }
0x39: {  	[tilespmem:s26+$0x8400] =	vst v60;
	v62 =	vmul.f32 $8.000000000e+00, v4  }
0x3a: {  	[tilespmem:s26+$0x8410] =	vst v6;
	v3 =	vmul.f32 $8.000000000e+00, v3  }
0x3b: {  	[tilespmem:s26+$0x8420] =	vst v62;
	v0 =	vmul.f32 $8.000000000e+00, v0  }
0x3c: {  	s30 =	sshll.u32 s23, $0xF;
	[tilespmem:s26+$0x8430] =	vst v3;
	v1 =	vmul.f32 $8.000000000e+00, v1  }
0x3d: {  	s28 =	sadd.s32 s8, s30;
	[tilespmem:s26+$0x8440] =	vst v0;
	v63 =	vmul.f32 $8.000000000e+00, v61  }
0x3e: {  	s28 =	sshrl.u32 s28, $0x3;
	[tilespmem:s26+$0x8450] =	vst v1  }
0x3f: {  	s31 =	sadd.s32 s3, s28;
	[tilespmem:s26+$0x8460] =	vst v63;
	s26 =	sadd.s32 $0x2, s25  }
0x40: {  	[hbm4b:s31+s4] =	stream.linear.scatter [tilespmem:s17], [sflag:$0x3], $0x4000, $0x38;
	[tilespmem:$0x10400] =	vst v63  }
0x41: {  	p1 =	seq.s32 s23, $0x31;
	s25 =	sand.u32 $0x2, s26  }
0x42: {  	p2 =	sne.s32 @!p1 s25, $0x0  }
0x43: {  	_ =	swait.ge [sflag:s18], $0x2000;
	p2 =	por p1, p2  }
.Ltmp1:
0x44: {  	[sflag:s18] =	ssyncset.done $0x0;
	(pc) =	sbr.rel @p2 .LBB2_6-.Ltmp1, $4  }
0x45: {  	[sflag:s18] =	ssyncadd.s32 $0xFFFFE000  }
0x46: {  	_ =	swait.ge [sflag:s18], $0x2000  }
0x47: {  	[sflag:s18] =	ssyncset.done $0x0  }
0x48: {  	[sflag:s18] =	ssyncadd.s32 $0xFFFFE000  }
0x49: {  	s26 =	sshll.u32 s26, $0x8  }
0x4a: {  	s26 =	sadd.s32 s5, s26  }
0x4b: {  	s26 =	sshrl.u32 s26, $0x3  }
0x4c: {  	s26 =	sadd.s32 s1, s26  }
0x4d: {  	[tilespmem:s4], [sflag:$0x5] =	stream.linear.gather [hbm4b:s26+s4], $0x400, $0x38;
	[tilespmem:$0x10400] =	vst v63  }
0x4e: {  	_ =	swait.ge [sflag:s10], $0x400  }
0x4f: {  	[sflag:s10] =	ssyncset.done $0x0  }
0x50: {  	[sflag:s10] =	ssyncadd.s32 $0xFFFFFC00  }
.LBB2_7:
.Ltmp2:
0x51: {  	(pc) =	sbr.rel @!p0 .LBB2_8-.Ltmp2, $4  }
.Ltmp3:
0x52: {  	s25 =	sshll.u32 s25, $0x8;
	(pc) =	sbr.rel @p0 .LBB2_9-.Ltmp3, $4  }
0x53: {  	[tilespmem:s12], [sflag:$0x1] =	stream.indirect.gather [hbm4b:s6+s11], $0x40, s25, s11, $0xb8;
	[tilespmem:$0x10400] =	vst v63  }
0x54: {  	s25 =	sor.u32 $0x80, s25  }
0x55: {  	[tilespmem:s13], [sflag:$0x1] =	stream.indirect.gather [hbm4b:s6+s11], $0x40, s25, s11, $0xb8;
	[tilespmem:$0x10400] =	vst v63  }
0x56: {  	_ = 	snop  }
.LBB2_6:
.Ltmp4:
0x57: {  	(pc) =	sbr.rel @!p1 .LBB2_7-.Ltmp4, $1  }
0x58: {  	_ =	sdelay $0x3  }
.LBB2_8:
0x59: {  	_ =	swait.ge [sflag:s21], $0x4000  }
0x5a: {  	[sflag:s21] =	ssyncset.done $0x0  }
0x5b: {  	[sflag:s21] =	ssyncadd.s32 $0xFFFFC000  }
.LBB2_9:
0x5c: {  	s26 =	simm.s32 $0x0  }
0x5d: {  	v1 =	vld [tilespmem:s26+$0x4470]  }
0x5e: {  	v5 =	vld [tilespmem:s26+$0x4400]  }
0x5f: {  	v6 =	vld [tilespmem:s26+$0x4410]  }
0x60: {  	v4 =	vld [tilespmem:s26+$0x4420]  }
0x61: {  	v3 =	vld [tilespmem:s26+$0x4430]  }
0x62: {  	v0 =	vld [tilespmem:s26+$0x4440];
	v7 =	vmul.f32 $8.000000000e+00, v1  }
0x63: {  	v1 =	vld [tilespmem:s26+$0x4450];
	v5 =	vmul.f32 $8.000000000e+00, v5  }
0x64: {  	s25 =	simm.s32 $0x80;
	s28 =	simm.s32 $0x400;
	v2 =	vld [tilespmem:s26+$0x4460];
	v6 =	vmul.f32 $8.000000000e+00, v6;
	[tilespmem:s26+$0xC470] =	vst v7  }
.LBB2_10:
0x65: {  	p0 =	sne.s32 s28, $0xFE00;
	v7 =	vld [tilespmem:s25+$0x4470];
	[tilespmem:s26+$0xC400] =	vst v5;
	v4 =	vmul.f32 $8.000000000e+00, v4  }
0x66: {  	v5 =	vld [tilespmem:s25+$0x4400];
	[tilespmem:s26+$0xC410] =	vst v6;
	v3 =	vmul.f32 $8.000000000e+00, v3  }
0x67: {  	v6 =	vld [tilespmem:s25+$0x4410];
	[tilespmem:s26+$0xC420] =	vst v4;
	v0 =	vmul.f32 $8.000000000e+00, v0  }
.Ltmp5:
0x68: {  	v4 =	vld [tilespmem:s25+$0x4420];
	[tilespmem:s26+$0xC430] =	vst v3;
	v1 =	vmul.f32 $8.000000000e+00, v1;
	(pc) =	sbr.rel @p0 .LBB2_10-.Ltmp5, $4  }
0x69: {  	v3 =	vld [tilespmem:s25+$0x4430];
	[tilespmem:s26+$0xC440] =	vst v0;
	v2 =	vmul.f32 $8.000000000e+00, v2  }
0x6a: {  	v0 =	vld [tilespmem:s25+$0x4440];
	v7 =	vmul.f32 $8.000000000e+00, v7;
	[tilespmem:s26+$0xC450] =	vst v1  }
0x6b: {  	v5 =	vmul.f32 $8.000000000e+00, v5;
	v1 =	vld [tilespmem:s25+$0x4450];
	[tilespmem:s26+$0xC460] =	vst v2;
	s26 =	smov.u32 s25  }
0x6c: {  	s25 =	sshra.s32 s28, $0x2;
	s28 =	sadd.s32 $0x200, s28;
	v6 =	vmul.f32 $8.000000000e+00, v6;
	v2 =	vld [tilespmem:s26+$0x4460];
	[tilespmem:s26+$0xC470] =	vst v7  }
0x6d: {  	v7 =	vld [tilespmem:s25+$0x4470];
	[tilespmem:s26+$0xC400] =	vst v5;
	v4 =	vmul.f32 $8.000000000e+00, v4  }
0x6e: {  	v5 =	vld [tilespmem:s25+$0x4400];
	[tilespmem:s26+$0xC410] =	vst v6;
	v3 =	vmul.f32 $8.000000000e+00, v3  }
0x6f: {  	v6 =	vld [tilespmem:s25+$0x4410];
	[tilespmem:s26+$0xC420] =	vst v4;
	v0 =	vmul.f32 $8.000000000e+00, v0  }
0x70: {  	v4 =	vld [tilespmem:s25+$0x4420];
	[tilespmem:s26+$0xC430] =	vst v3;
	v1 =	vmul.f32 $8.000000000e+00, v1  }
0x71: {  	v3 =	vld [tilespmem:s25+$0x4430];
	[tilespmem:s26+$0xC440] =	vst v0;
	v2 =	vmul.f32 $8.000000000e+00, v2  }
0x72: {  	v0 =	vld [tilespmem:s25+$0x4440];
	[tilespmem:s26+$0xC450] =	vst v1;
	v7 =	vmul.f32 $8.000000000e+00, v7  }
0x73: {  	v1 =	vld [tilespmem:s25+$0x4450];
	[tilespmem:s26+$0xC460] =	vst v2;
	v60 =	vmul.f32 $8.000000000e+00, v5  }
0x74: {  	v61 =	vld [tilespmem:s25+$0x4460];
	v6 =	vmul.f32 $8.000000000e+00, v6;
	[tilespmem:s25+$0xC470] =	vst v7  }
0x75: {  	[tilespmem:s25+$0xC400] =	vst v60;
	v62 =	vmul.f32 $8.000000000e+00, v4  }
0x76: {  	s23 =	sadd.s32 $0x1, s23;
	[tilespmem:s25+$0xC410] =	vst v6;
	v3 =	vmul.f32 $8.000000000e+00, v3  }
0x77: {  	p0 =	sne.s32 s23, $0x32;
	[tilespmem:s25+$0xC420] =	vst v62;
	v0 =	vmul.f32 $8.000000000e+00, v0  }
.Ltmp6:
0x78: {  	s24 =	sshll.u32 s24, $0xE;
	[tilespmem:s25+$0xC430] =	vst v3;
	v1 =	vmul.f32 $8.000000000e+00, v1;
	(pc) =	sbr.rel @p0 .LBB2_2-.Ltmp6, $4  }
0x79: {  	s24 =	sadd.s32 s8, s24;
	[tilespmem:s25+$0xC440] =	vst v0;
	v63 =	vmul.f32 $8.000000000e+00, v61  }
0x7a: {  	s24 =	sshrl.u32 s24, $0x3;
	[tilespmem:s25+$0xC450] =	vst v1  }
0x7b: {  	s24 =	sadd.s32 s3, s24;
	[tilespmem:s25+$0xC460] =	vst v63  }
0x7c: {  	[hbm4b:s24+s4] =	stream.linear.scatter [tilespmem:s19], [sflag:$0x4], $0x4000, $0x38;
	[tilespmem:$0x10400] =	vst v63  }
0x7d: {  	s22 =	sadd.s32 $0x1, s22  }
0x7e: {  	_ =	swait.ge [sflag:s20], $0x4000;
	p0 =	sne.s32 s22, s9  }
.Ltmp7:
0x7f: {  	[sflag:s20] =	ssyncset.done $0x0;
	(pc) =	sbr.rel @p0 .LBB2_1-.Ltmp7, $4  }
0x80: {  	[sflag:s20] =	ssyncadd.s32 $0xFFFFC000  }
0x81: {  	_ =	swait.ge [sflag:s21], $0x4000  }
0x82: {  	[sflag:s21] =	ssyncset.done $0x0  }
0x83: {  	[sflag:s21] =	ssyncadd.s32 $0xFFFFC000  }
0x84: {  	_ =	sfence.sel $0x180000  }
0x85: {  	[bflag:$0x0] =	sbarrier.arrive $0xFFFF  }
0x86: {  	p0 =	sne.s32 s0, $0x0;
	_ =	strace $0x90000047  }
0x87: {  	s0 =	sadd.s32 @!p0 $0x100000, s2;
	[bflag:$0x2] =	sbarrier.arrive $0xFFFF  }
0x88: {  	[sflag:s0] =	ssyncadd.tile.s32 @!p0 $0x1;
	_ =	shalt  }
.Lfunc_end2:
_tile_overlayer_lowered:
.L_overlay_start_2:
0x89: {  	(tag) =	ssettag $0x2  }
0x8a: {  	s0 =	rddreg [dreg:$0x0];
	s2 =	stileid.u32  }
0x8b: {  	s1 =	rddreg [dreg:$0x1];
	p0 =	sne.s32 s2, $0x0  }
0x8c: {  	s3 =	rddreg [dreg:$0x2];
	[bflag:$0x3] =	sbarrier.arrive $0xFFFF;
	s2 =	simm.s32 @!p0 $0x1C05  }
0x8d: {  	[timem:s3], [sflag:s2] =	dma.local @!p0 [hbm:s0], s1  }
0x8e: {  	s0 =	simm.s32 @!p0 $0x5  }
0x8f: {  	_ =	swait.ge @!p0 [sflag:s0], s1  }
0x90: {  	s1 =	ssub.s32 @!p0 $0x0, s1;
	[sflag:s0] =	ssyncset.done @!p0 $0x0  }
0x91: {  	[sflag:s0] =	ssyncadd.s32 @!p0 s1  }
0x92: {  	[bflag:$0x3] =	sbarrier.arrive $0xFFFF  }
0x93: {  	_ =	shalt  }

</sc_bundles>
